<compile_context>
chip_gen: v7x
topology: tpu7x:2x2x1
jax: 0.10.2.dev20260603
libtpu: 0.0.44.dev20260713+nightly
codegen_flags: <defaults>
</compile_context>

<pallas_src>
import functools

import jax
import jax.numpy as jnp
from jax import lax
from jax.experimental import pallas as pl
from jax.experimental.pallas import tpu as pltpu
from jax.experimental.pallas import tpu_sc as plsc

B, T = 16384, 100
D = 128
N = B * T
NUM_ROWS = 5
NC, NS = 2, 16
NW = NC * NS
PER_W = N // NW
CHUNK = 128
NCHUNK = PER_W // CHUNK
NBUF = 4
AHEAD = 2


@functools.partial(
    pl.kernel,
    mesh=plsc.VectorSubcoreMesh(core_axis_name="c", subcore_axis_name="s"),
    out_type=jax.ShapeDtypeStruct((N, D), jnp.float32),
    scratch_types=[
        pltpu.VMEM_SHARED((NUM_ROWS, D), jnp.float32),
        pltpu.VMEM((NCHUNK, CHUNK), jnp.int32),
        pltpu.VMEM((NBUF, CHUNK, D), jnp.float32),
        pltpu.SemaphoreType.DMA,
        pltpu.SemaphoreType.DMA,
    ],
)
def _gather_kernel(idx_hbm, table_hbm, out_hbm, tab_s, idx_v, rows_v, gsem, ssem):
    cid = lax.axis_index("c")
    sid = lax.axis_index("s")
    wid = sid * NC + cid
    base = wid * PER_W

    @pl.when(sid == 0)
    def _():
        pltpu.sync_copy(table_hbm, tab_s)

    plsc.subcore_barrier()

    pltpu.sync_copy(idx_hbm.at[wid], idx_v)

    for g0 in range(AHEAD):
        pltpu.async_copy(tab_s.at[idx_v.at[g0]], rows_v.at[g0], gsem)

    def body(p, carry):
        for b in range(NBUF):
            g = p * NBUF + b
            nb = (b + AHEAD) % NBUF

            @pl.when(g + AHEAD < NCHUNK)
            def _():
                @pl.when(g + AHEAD >= NBUF)
                def _():
                    off_r = base + (g + AHEAD - NBUF) * CHUNK
                    pltpu.make_async_copy(
                        rows_v.at[nb], out_hbm.at[pl.ds(off_r, CHUNK)], ssem
                    ).wait()

                pltpu.async_copy(tab_s.at[idx_v.at[g + AHEAD]], rows_v.at[nb], gsem)

            pltpu.make_async_copy(
                tab_s.at[idx_v.at[g]], rows_v.at[b], gsem
            ).wait()
            pltpu.async_copy(
                rows_v.at[b], out_hbm.at[pl.ds(base + g * CHUNK, CHUNK)], ssem
            )
        return carry

    lax.fori_loop(0, NCHUNK // NBUF, body, 0)

    for _d in range(NBUF):
        pltpu.make_async_copy(
            rows_v.at[0], out_hbm.at[pl.ds(base, CHUNK)], ssem
        ).wait()


def kernel(token_types, table):
    idx = jnp.reshape(token_types, (NW, NCHUNK, CHUNK)).astype(jnp.int32)
    out = _gather_kernel(idx, table)
    return jnp.reshape(out, (B, T, D))

# --- scband reference (transcript-rebuilt; emitter-appended) ---
"""Pipeline reference for scband-token-type-encoder-36524401885717 (READ-ONLY COPY).

The authoritative reference and input builder live on the scoring server;
editing this copy changes nothing except your own understanding.
"""

import jax, jax.numpy as jnp
import numpy as np

CHANNELS = 128
NUM_TOKEN_TYPES = 5

def setup_inputs(seed: int = 0) -> dict:
    key = jax.random.key(seed)
    k1, k2 = jax.random.split(key)
    token_types = jax.random.randint(k1, (16384, 100), 0, NUM_TOKEN_TYPES, dtype=jnp.int64 if jax.config.read('jax_enable_x64') else jnp.int32)
    # torch.nn.Embedding default init: N(0, 1)
    table = jax.random.normal(k2, (NUM_TOKEN_TYPES, CHANNELS), dtype=jnp.float32)
    return {"token_types": token_types, "table": table}

def reference(token_types, table):
    # torch.nn.Embedding forward: row gather from the embedding table
    return jnp.take(table, token_types, axis=0)

if __name__ == "__main__":
    import jax
    _d = setup_inputs()
    print(jax.jit(kernel)(*tuple(_d.values())))

</pallas_src>

<mosaic_0001>
#map = affine_map<(d0, d1) -> (0, 0, 0)>
#map1 = affine_map<(d0, d1) -> (0, 0)>
module attributes {stable_mosaic.version = 14 : i64} {
  func.func @_gather_kernel(%arg0: i32, %arg1: i32, %arg2: memref<32x400x128xi32, #tpu.memory_space<hbm>>, %arg3: memref<5x128xf32, #tpu.memory_space<hbm>>, %arg4: memref<1638400x128xf32, #tpu.memory_space<hbm>>, %arg5: memref<5x128xf32, #tpu.memory_space<vmem_shared>>, %arg6: memref<400x128xi32, #tpu.memory_space<vmem>>, %arg7: memref<4x128x128xf32, #tpu.memory_space<vmem>>, %arg8: memref<!tpu.dma_semaphore, #tpu.memory_space<semaphore_mem>>, %arg9: memref<!tpu.dma_semaphore, #tpu.memory_space<semaphore_mem>>) attributes {dimension_semantics = [#tpu.dimension_semantics<core_parallel>, #tpu.dimension_semantics<subcore_parallel>], iteration_bounds = array<i64: 2, 16>, scalar_prefetch = 0 : i64, scratch_operands = 5 : i64, tpu.core_type = #tpu.core_type<sc_vector_subcore>, window_params = [{transform_indices = #map}, {transform_indices = #map1}, {transform_indices = #map1}]} {
    %mul3A = arith.constant 2 : i32
    %mul3A_0 = arith.muli %arg1, %mul3A : i32
    %add3A = arith.addi %mul3A_0, %arg0 : i32
    %mul3A_1 = arith.constant 51200 : i32
    %mul3A_2 = arith.muli %add3A, %mul3A_1 : i32
    %eq3A = arith.constant 0 : i32
    %eq3A_3 = arith.cmpi eq, %arg1, %eq3A : i32
    %convert_element_type3A = arith.extui %eq3A_3 : i1 to i32
    %cond3A = arith.constant 0 : i32
    %cond3A_4 = arith.cmpi ne, %convert_element_type3A, %cond3A : i32
    scf.if %cond3A_4 {
      "tpu.region"() ({
        %run_scoped3A = tpu.sem_alloc : memref<!tpu.dma_semaphore, #tpu.memory_space<semaphore_mem>>
        tpu.enqueue_dma source(%arg3 : memref<5x128xf32, #tpu.memory_space<hbm>>) target(%arg5 : memref<5x128xf32, #tpu.memory_space<vmem_shared>>) target_semaphore(%run_scoped3A : memref<!tpu.dma_semaphore, #tpu.memory_space<semaphore_mem>>)
        tpu.wait_dma2 semaphore(%run_scoped3A : memref<!tpu.dma_semaphore, #tpu.memory_space<semaphore_mem>>) src(%arg3 : memref<5x128xf32, #tpu.memory_space<hbm>>) dst(%arg5 : memref<5x128xf32, #tpu.memory_space<vmem_shared>>)
        tpu.yield
      }) : () -> ()
    } else {
    }
    %barrier3A = arith.constant 0 : index
    tpu.barrier barrier_id(%barrier3A)
    "tpu.region"() ({
      %run_scoped3A = tpu.sem_alloc : memref<!tpu.dma_semaphore, #tpu.memory_space<semaphore_mem>>
      %dma_start3A_84 = arith.constant 0 : i32
      %dma_start3A_85 = arith.constant 0 : i32
      %dma_start3A_86 = tpu.memref_slice %arg2[%add3A, %dma_start3A_84, %dma_start3A_85] : memref<32x400x128xi32, #tpu.memory_space<hbm>> -> memref<1x400x128xi32, #tpu.memory_space<hbm>>
      %dma_start3A_87 = tpu.memref_squeeze %dma_start3A_86 : memref<1x400x128xi32, #tpu.memory_space<hbm>> -> memref<400x128xi32, #tpu.memory_space<hbm>>
      %dma_start3A_88 = arith.constant 0 : i32
      %dma_start3A_89 = arith.constant 0 : i32
      %dma_start3A_90 = tpu.memref_slice %arg2[%add3A, %dma_start3A_88, %dma_start3A_89] : memref<32x400x128xi32, #tpu.memory_space<hbm>> -> memref<1x400x128xi32, #tpu.memory_space<hbm>>
      %dma_start3A_91 = tpu.memref_squeeze %dma_start3A_90 : memref<1x400x128xi32, #tpu.memory_space<hbm>> -> memref<400x128xi32, #tpu.memory_space<hbm>>
      tpu.enqueue_dma source(%dma_start3A_91 : memref<400x128xi32, #tpu.memory_space<hbm>>) target(%arg6 : memref<400x128xi32, #tpu.memory_space<vmem>>) target_semaphore(%run_scoped3A : memref<!tpu.dma_semaphore, #tpu.memory_space<semaphore_mem>>)
      %dma_wait3A_92 = arith.constant 0 : i32
      %dma_wait3A_93 = arith.constant 0 : i32
      %dma_wait3A_94 = tpu.memref_slice %arg2[%add3A, %dma_wait3A_92, %dma_wait3A_93] : memref<32x400x128xi32, #tpu.memory_space<hbm>> -> memref<1x400x128xi32, #tpu.memory_space<hbm>>
      %dma_wait3A_95 = tpu.memref_squeeze %dma_wait3A_94 : memref<1x400x128xi32, #tpu.memory_space<hbm>> -> memref<400x128xi32, #tpu.memory_space<hbm>>
      %dma_wait3A_96 = arith.constant 0 : i32
      %dma_wait3A_97 = arith.constant 0 : i32
      %dma_wait3A_98 = tpu.memref_slice %arg2[%add3A, %dma_wait3A_96, %dma_wait3A_97] : memref<32x400x128xi32, #tpu.memory_space<hbm>> -> memref<1x400x128xi32, #tpu.memory_space<hbm>>
      %dma_wait3A_99 = tpu.memref_squeeze %dma_wait3A_98 : memref<1x400x128xi32, #tpu.memory_space<hbm>> -> memref<400x128xi32, #tpu.memory_space<hbm>>
      tpu.wait_dma2 semaphore(%run_scoped3A : memref<!tpu.dma_semaphore, #tpu.memory_space<semaphore_mem>>) src(%dma_wait3A_99 : memref<400x128xi32, #tpu.memory_space<hbm>>) dst(%arg6 : memref<400x128xi32, #tpu.memory_space<vmem>>)
      tpu.yield
    }) : () -> ()
    %dma_start3A = arith.constant 0 : i32
    %dma_start3A_5 = arith.constant 0 : i32
    %dma_start3A_6 = arith.constant 0 : i32
    %dma_start3A_7 = arith.constant 0 : i32
    %dma_start3A_8 = tpu.memref_slice %arg7[%dma_start3A_5, %dma_start3A_6, %dma_start3A_7] : memref<4x128x128xf32, #tpu.memory_space<vmem>> -> memref<1x128x128xf32, #tpu.memory_space<vmem>>
    %dma_start3A_9 = tpu.memref_squeeze %dma_start3A_8 : memref<1x128x128xf32, #tpu.memory_space<vmem>> -> memref<128x128xf32, #tpu.memory_space<vmem>>
    %dma_start3A_10 = arith.constant 0 : i32
    %dma_start3A_11 = tpu.memref_slice %arg6[%dma_start3A, %dma_start3A_10] : memref<400x128xi32, #tpu.memory_space<vmem>> -> memref<1x128xi32, #tpu.memory_space<vmem>>
    %dma_start3A_12 = tpu.memref_squeeze %dma_start3A_11 : memref<1x128xi32, #tpu.memory_space<vmem>> -> memref<128xi32, #tpu.memory_space<vmem>>
    %dma_start3A_13 = arith.constant 0 : i32
    %dma_start3A_14 = arith.constant 0 : i32
    %dma_start3A_15 = tpu.memref_slice %arg5[%dma_start3A_13, %dma_start3A_14] : memref<5x128xf32, #tpu.memory_space<vmem_shared>> -> memref<5x128xf32, #tpu.memory_space<vmem_shared>>
    tpu.enqueue_indirect_dma source(%dma_start3A_15 : memref<5x128xf32, #tpu.memory_space<vmem_shared>>) target(%dma_start3A_9 : memref<128x128xf32, #tpu.memory_space<vmem>>) offsets(%dma_start3A_12 : memref<128xi32, #tpu.memory_space<vmem>>) semaphore(%arg8 : memref<!tpu.dma_semaphore, #tpu.memory_space<semaphore_mem>>)
    %dma_start3A_16 = arith.constant 1 : i32
    %dma_start3A_17 = arith.constant 1 : i32
    %dma_start3A_18 = arith.constant 0 : i32
    %dma_start3A_19 = arith.constant 0 : i32
    %dma_start3A_20 = tpu.memref_slice %arg7[%dma_start3A_17, %dma_start3A_18, %dma_start3A_19] : memref<4x128x128xf32, #tpu.memory_space<vmem>> -> memref<1x128x128xf32, #tpu.memory_space<vmem>>
    %dma_start3A_21 = tpu.memref_squeeze %dma_start3A_20 : memref<1x128x128xf32, #tpu.memory_space<vmem>> -> memref<128x128xf32, #tpu.memory_space<vmem>>
    %dma_start3A_22 = arith.constant 0 : i32
    %dma_start3A_23 = tpu.memref_slice %arg6[%dma_start3A_16, %dma_start3A_22] : memref<400x128xi32, #tpu.memory_space<vmem>> -> memref<1x128xi32, #tpu.memory_space<vmem>>
    %dma_start3A_24 = tpu.memref_squeeze %dma_start3A_23 : memref<1x128xi32, #tpu.memory_space<vmem>> -> memref<128xi32, #tpu.memory_space<vmem>>
    %dma_start3A_25 = arith.constant 0 : i32
    %dma_start3A_26 = arith.constant 0 : i32
    %dma_start3A_27 = tpu.memref_slice %arg5[%dma_start3A_25, %dma_start3A_26] : memref<5x128xf32, #tpu.memory_space<vmem_shared>> -> memref<5x128xf32, #tpu.memory_space<vmem_shared>>
    tpu.enqueue_indirect_dma source(%dma_start3A_27 : memref<5x128xf32, #tpu.memory_space<vmem_shared>>) target(%dma_start3A_21 : memref<128x128xf32, #tpu.memory_space<vmem>>) offsets(%dma_start3A_24 : memref<128xi32, #tpu.memory_space<vmem>>) semaphore(%arg8 : memref<!tpu.dma_semaphore, #tpu.memory_space<semaphore_mem>>)
    %scan3A = arith.constant 0 : i32
    %scan3A_28 = arith.constant 0 : i32
    %scan3A_29 = arith.constant 100 : i32
    %scan3A_30 = arith.addi %scan3A_28, %scan3A_29 : i32
    %scan3A_31 = arith.constant 1 : i32
    scf.for %scan3A_84 = %scan3A_28 to %scan3A_30 step %scan3A_31  : i32 {
      %mul3A_85 = arith.constant 4 : i32
      %mul3A_86 = arith.muli %scan3A_84, %mul3A_85 : i32
      %add3A_87 = arith.constant 0 : i32
      %add3A_88 = arith.addi %mul3A_86, %add3A_87 : i32
      %add3A_89 = arith.constant 2 : i32
      %add3A_90 = arith.addi %add3A_88, %add3A_89 : i32
      %lt3A = arith.constant 400 : i32
      %lt3A_91 = arith.cmpi slt, %add3A_90, %lt3A : i32
      %convert_element_type3A_92 = arith.extui %lt3A_91 : i1 to i32
      %cond3A_93 = arith.constant 0 : i32
      %cond3A_94 = arith.cmpi ne, %convert_element_type3A_92, %cond3A_93 : i32
      scf.if %cond3A_94 {
        %add3A_236 = arith.constant 2 : i32
        %add3A_237 = arith.addi %add3A_88, %add3A_236 : i32
        %ge3A = arith.constant 4 : i32
        %ge3A_238 = arith.cmpi sge, %add3A_237, %ge3A : i32
        %convert_element_type3A_239 = arith.extui %ge3A_238 : i1 to i32
        %cond3A_240 = arith.constant 0 : i32
        %cond3A_241 = arith.cmpi ne, %convert_element_type3A_239, %cond3A_240 : i32
        scf.if %cond3A_241 {
          %add3A_255 = arith.constant 2 : i32
          %add3A_256 = arith.addi %add3A_88, %add3A_255 : i32
          %sub3A = arith.constant 4 : i32
          %sub3A_257 = arith.subi %add3A_256, %sub3A : i32
          %mul3A_258 = arith.constant 128 : i32
          %mul3A_259 = arith.muli %sub3A_257, %mul3A_258 : i32
          %add3A_260 = arith.addi %mul3A_2, %mul3A_259 : i32
          %dma_wait3A_261 = arith.constant 2 : i32
          %dma_wait3A_262 = arith.constant 0 : i32
          %dma_wait3A_263 = arith.constant 0 : i32
          %dma_wait3A_264 = tpu.memref_slice %arg7[%dma_wait3A_261, %dma_wait3A_262, %dma_wait3A_263] : memref<4x128x128xf32, #tpu.memory_space<vmem>> -> memref<1x128x128xf32, #tpu.memory_space<vmem>>
          %dma_wait3A_265 = tpu.memref_squeeze %dma_wait3A_264 : memref<1x128x128xf32, #tpu.memory_space<vmem>> -> memref<128x128xf32, #tpu.memory_space<vmem>>
          %dma_wait3A_266 = arith.constant 0 : i32
          %dma_wait3A_267 = tpu.memref_slice %arg4[%add3A_260, %dma_wait3A_266] : memref<1638400x128xf32, #tpu.memory_space<hbm>> -> memref<128x128xf32, #tpu.memory_space<hbm>>
          %dma_wait3A_268 = arith.constant 0 : i32
          %dma_wait3A_269 = tpu.memref_slice %arg4[%add3A_260, %dma_wait3A_268] : memref<1638400x128xf32, #tpu.memory_space<hbm>> -> memref<128x128xf32, #tpu.memory_space<hbm>>
          %dma_wait3A_270 = arith.constant 0 : i32
          %dma_wait3A_271 = arith.constant 0 : i32
          %dma_wait3A_272 = tpu.memref_slice %arg7[%dma_wait3A_261, %dma_wait3A_270, %dma_wait3A_271] : memref<4x128x128xf32, #tpu.memory_space<vmem>> -> memref<1x128x128xf32, #tpu.memory_space<vmem>>
          %dma_wait3A_273 = tpu.memref_squeeze %dma_wait3A_272 : memref<1x128x128xf32, #tpu.memory_space<vmem>> -> memref<128x128xf32, #tpu.memory_space<vmem>>
          tpu.wait_dma2 semaphore(%arg9 : memref<!tpu.dma_semaphore, #tpu.memory_space<semaphore_mem>>) src(%dma_wait3A_273 : memref<128x128xf32, #tpu.memory_space<vmem>>) dst(%dma_wait3A_269 : memref<128x128xf32, #tpu.memory_space<hbm>>)
        } else {
        }
        %add3A_242 = arith.constant 2 : i32
        %add3A_243 = arith.addi %add3A_88, %add3A_242 : i32
        %dma_start3A_244 = arith.constant 2 : i32
        %dma_start3A_245 = arith.constant 0 : i32
        %dma_start3A_246 = arith.constant 0 : i32
        %dma_start3A_247 = tpu.memref_slice %arg7[%dma_start3A_244, %dma_start3A_245, %dma_start3A_246] : memref<4x128x128xf32, #tpu.memory_space<vmem>> -> memref<1x128x128xf32, #tpu.memory_space<vmem>>
        %dma_start3A_248 = tpu.memref_squeeze %dma_start3A_247 : memref<1x128x128xf32, #tpu.memory_space<vmem>> -> memref<128x128xf32, #tpu.memory_space<vmem>>
        %dma_start3A_249 = arith.constant 0 : i32
        %dma_start3A_250 = tpu.memref_slice %arg6[%add3A_243, %dma_start3A_249] : memref<400x128xi32, #tpu.memory_space<vmem>> -> memref<1x128xi32, #tpu.memory_space<vmem>>
        %dma_start3A_251 = tpu.memref_squeeze %dma_start3A_250 : memref<1x128xi32, #tpu.memory_space<vmem>> -> memref<128xi32, #tpu.memory_space<vmem>>
        %dma_start3A_252 = arith.constant 0 : i32
        %dma_start3A_253 = arith.constant 0 : i32
        %dma_start3A_254 = tpu.memref_slice %arg5[%dma_start3A_252, %dma_start3A_253] : memref<5x128xf32, #tpu.memory_space<vmem_shared>> -> memref<5x128xf32, #tpu.memory_space<vmem_shared>>
        tpu.enqueue_indirect_dma source(%dma_start3A_254 : memref<5x128xf32, #tpu.memory_space<vmem_shared>>) target(%dma_start3A_248 : memref<128x128xf32, #tpu.memory_space<vmem>>) offsets(%dma_start3A_251 : memref<128xi32, #tpu.memory_space<vmem>>) semaphore(%arg8 : memref<!tpu.dma_semaphore, #tpu.memory_space<semaphore_mem>>)
      } else {
      }
      %dma_wait3A_95 = arith.constant 0 : i32
      %dma_wait3A_96 = arith.constant 0 : i32
      %dma_wait3A_97 = arith.constant 0 : i32
      %dma_wait3A_98 = tpu.memref_slice %arg7[%dma_wait3A_95, %dma_wait3A_96, %dma_wait3A_97] : memref<4x128x128xf32, #tpu.memory_space<vmem>> -> memref<1x128x128xf32, #tpu.memory_space<vmem>>
      %dma_wait3A_99 = tpu.memref_squeeze %dma_wait3A_98 : memref<1x128x128xf32, #tpu.memory_space<vmem>> -> memref<128x128xf32, #tpu.memory_space<vmem>>
      %dma_wait3A_100 = arith.constant 0 : i32
      %dma_wait3A_101 = tpu.memref_slice %arg6[%add3A_88, %dma_wait3A_100] : memref<400x128xi32, #tpu.memory_space<vmem>> -> memref<1x128xi32, #tpu.memory_space<vmem>>
      %dma_wait3A_102 = tpu.memref_squeeze %dma_wait3A_101 : memref<1x128xi32, #tpu.memory_space<vmem>> -> memref<128xi32, #tpu.memory_space<vmem>>
      %dma_wait3A_103 = arith.constant 0 : i32
      %dma_wait3A_104 = arith.constant 0 : i32
      %dma_wait3A_105 = tpu.memref_slice %arg5[%dma_wait3A_103, %dma_wait3A_104] : memref<5x128xf32, #tpu.memory_space<vmem_shared>> -> memref<5x128xf32, #tpu.memory_space<vmem_shared>>
      tpu.wait_indirect_dma semaphore(%arg8 : memref<!tpu.dma_semaphore, #tpu.memory_space<semaphore_mem>>) src(%dma_wait3A_105 : memref<5x128xf32, #tpu.memory_space<vmem_shared>>) dst(%dma_wait3A_99 : memref<128x128xf32, #tpu.memory_space<vmem>>)
      %mul3A_106 = arith.constant 128 : i32
      %mul3A_107 = arith.muli %add3A_88, %mul3A_106 : i32
      %add3A_108 = arith.addi %mul3A_2, %mul3A_107 : i32
      %dma_start3A_109 = arith.constant 0 : i32
      %dma_start3A_110 = arith.constant 0 : i32
      %dma_start3A_111 = arith.constant 0 : i32
      %dma_start3A_112 = tpu.memref_slice %arg7[%dma_start3A_109, %dma_start3A_110, %dma_start3A_111] : memref<4x128x128xf32, #tpu.memory_space<vmem>> -> memref<1x128x128xf32, #tpu.memory_space<vmem>>
      %dma_start3A_113 = tpu.memref_squeeze %dma_start3A_112 : memref<1x128x128xf32, #tpu.memory_space<vmem>> -> memref<128x128xf32, #tpu.memory_space<vmem>>
      %dma_start3A_114 = arith.constant 0 : i32
      %dma_start3A_115 = tpu.memref_slice %arg4[%add3A_108, %dma_start3A_114] : memref<1638400x128xf32, #tpu.memory_space<hbm>> -> memref<128x128xf32, #tpu.memory_space<hbm>>
      %dma_start3A_116 = arith.constant 0 : i32
      %dma_start3A_117 = tpu.memref_slice %arg4[%add3A_108, %dma_start3A_116] : memref<1638400x128xf32, #tpu.memory_space<hbm>> -> memref<128x128xf32, #tpu.memory_space<hbm>>
      %dma_start3A_118 = arith.constant 0 : i32
      %dma_start3A_119 = arith.constant 0 : i32
      %dma_start3A_120 = tpu.memref_slice %arg7[%dma_start3A_109, %dma_start3A_118, %dma_start3A_119] : memref<4x128x128xf32, #tpu.memory_space<vmem>> -> memref<1x128x128xf32, #tpu.memory_space<vmem>>
      %dma_start3A_121 = tpu.memref_squeeze %dma_start3A_120 : memref<1x128x128xf32, #tpu.memory_space<vmem>> -> memref<128x128xf32, #tpu.memory_space<vmem>>
      tpu.enqueue_dma source(%dma_start3A_121 : memref<128x128xf32, #tpu.memory_space<vmem>>) target(%dma_start3A_117 : memref<128x128xf32, #tpu.memory_space<hbm>>) target_semaphore(%arg9 : memref<!tpu.dma_semaphore, #tpu.memory_space<semaphore_mem>>)
      %mul3A_122 = arith.constant 4 : i32
      %mul3A_123 = arith.muli %scan3A_84, %mul3A_122 : i32
      %add3A_124 = arith.constant 1 : i32
      %add3A_125 = arith.addi %mul3A_123, %add3A_124 : i32
      %add3A_126 = arith.constant 2 : i32
      %add3A_127 = arith.addi %add3A_125, %add3A_126 : i32
      %lt3A_128 = arith.constant 400 : i32
      %lt3A_129 = arith.cmpi slt, %add3A_127, %lt3A_128 : i32
      %convert_element_type3A_130 = arith.extui %lt3A_129 : i1 to i32
      %cond3A_131 = arith.constant 0 : i32
      %cond3A_132 = arith.cmpi ne, %convert_element_type3A_130, %cond3A_131 : i32
      scf.if %cond3A_132 {
        %add3A_236 = arith.constant 2 : i32
        %add3A_237 = arith.addi %add3A_125, %add3A_236 : i32
        %ge3A = arith.constant 4 : i32
        %ge3A_238 = arith.cmpi sge, %add3A_237, %ge3A : i32
        %convert_element_type3A_239 = arith.extui %ge3A_238 : i1 to i32
        %cond3A_240 = arith.constant 0 : i32
        %cond3A_241 = arith.cmpi ne, %convert_element_type3A_239, %cond3A_240 : i32
        scf.if %cond3A_241 {
          %add3A_255 = arith.constant 2 : i32
          %add3A_256 = arith.addi %add3A_125, %add3A_255 : i32
          %sub3A = arith.constant 4 : i32
          %sub3A_257 = arith.subi %add3A_256, %sub3A : i32
          %mul3A_258 = arith.constant 128 : i32
          %mul3A_259 = arith.muli %sub3A_257, %mul3A_258 : i32
          %add3A_260 = arith.addi %mul3A_2, %mul3A_259 : i32
          %dma_wait3A_261 = arith.constant 3 : i32
          %dma_wait3A_262 = arith.constant 0 : i32
          %dma_wait3A_263 = arith.constant 0 : i32
          %dma_wait3A_264 = tpu.memref_slice %arg7[%dma_wait3A_261, %dma_wait3A_262, %dma_wait3A_263] : memref<4x128x128xf32, #tpu.memory_space<vmem>> -> memref<1x128x128xf32, #tpu.memory_space<vmem>>
          %dma_wait3A_265 = tpu.memref_squeeze %dma_wait3A_264 : memref<1x128x128xf32, #tpu.memory_space<vmem>> -> memref<128x128xf32, #tpu.memory_space<vmem>>
          %dma_wait3A_266 = arith.constant 0 : i32
          %dma_wait3A_267 = tpu.memref_slice %arg4[%add3A_260, %dma_wait3A_266] : memref<1638400x128xf32, #tpu.memory_space<hbm>> -> memref<128x128xf32, #tpu.memory_space<hbm>>
          %dma_wait3A_268 = arith.constant 0 : i32
          %dma_wait3A_269 = tpu.memref_slice %arg4[%add3A_260, %dma_wait3A_268] : memref<1638400x128xf32, #tpu.memory_space<hbm>> -> memref<128x128xf32, #tpu.memory_space<hbm>>
          %dma_wait3A_270 = arith.constant 0 : i32
          %dma_wait3A_271 = arith.constant 0 : i32
          %dma_wait3A_272 = tpu.memref_slice %arg7[%dma_wait3A_261, %dma_wait3A_270, %dma_wait3A_271] : memref<4x128x128xf32, #tpu.memory_space<vmem>> -> memref<1x128x128xf32, #tpu.memory_space<vmem>>
          %dma_wait3A_273 = tpu.memref_squeeze %dma_wait3A_272 : memref<1x128x128xf32, #tpu.memory_space<vmem>> -> memref<128x128xf32, #tpu.memory_space<vmem>>
          tpu.wait_dma2 semaphore(%arg9 : memref<!tpu.dma_semaphore, #tpu.memory_space<semaphore_mem>>) src(%dma_wait3A_273 : memref<128x128xf32, #tpu.memory_space<vmem>>) dst(%dma_wait3A_269 : memref<128x128xf32, #tpu.memory_space<hbm>>)
        } else {
        }
        %add3A_242 = arith.constant 2 : i32
        %add3A_243 = arith.addi %add3A_125, %add3A_242 : i32
        %dma_start3A_244 = arith.constant 3 : i32
        %dma_start3A_245 = arith.constant 0 : i32
        %dma_start3A_246 = arith.constant 0 : i32
        %dma_start3A_247 = tpu.memref_slice %arg7[%dma_start3A_244, %dma_start3A_245, %dma_start3A_246] : memref<4x128x128xf32, #tpu.memory_space<vmem>> -> memref<1x128x128xf32, #tpu.memory_space<vmem>>
        %dma_start3A_248 = tpu.memref_squeeze %dma_start3A_247 : memref<1x128x128xf32, #tpu.memory_space<vmem>> -> memref<128x128xf32, #tpu.memory_space<vmem>>
        %dma_start3A_249 = arith.constant 0 : i32
        %dma_start3A_250 = tpu.memref_slice %arg6[%add3A_243, %dma_start3A_249] : memref<400x128xi32, #tpu.memory_space<vmem>> -> memref<1x128xi32, #tpu.memory_space<vmem>>
        %dma_start3A_251 = tpu.memref_squeeze %dma_start3A_250 : memref<1x128xi32, #tpu.memory_space<vmem>> -> memref<128xi32, #tpu.memory_space<vmem>>
        %dma_start3A_252 = arith.constant 0 : i32
        %dma_start3A_253 = arith.constant 0 : i32
        %dma_start3A_254 = tpu.memref_slice %arg5[%dma_start3A_252, %dma_start3A_253] : memref<5x128xf32, #tpu.memory_space<vmem_shared>> -> memref<5x128xf32, #tpu.memory_space<vmem_shared>>
        tpu.enqueue_indirect_dma source(%dma_start3A_254 : memref<5x128xf32, #tpu.memory_space<vmem_shared>>) target(%dma_start3A_248 : memref<128x128xf32, #tpu.memory_space<vmem>>) offsets(%dma_start3A_251 : memref<128xi32, #tpu.memory_space<vmem>>) semaphore(%arg8 : memref<!tpu.dma_semaphore, #tpu.memory_space<semaphore_mem>>)
      } else {
      }
      %dma_wait3A_133 = arith.constant 1 : i32
      %dma_wait3A_134 = arith.constant 0 : i32
      %dma_wait3A_135 = arith.constant 0 : i32
      %dma_wait3A_136 = tpu.memref_slice %arg7[%dma_wait3A_133, %dma_wait3A_134, %dma_wait3A_135] : memref<4x128x128xf32, #tpu.memory_space<vmem>> -> memref<1x128x128xf32, #tpu.memory_space<vmem>>
      %dma_wait3A_137 = tpu.memref_squeeze %dma_wait3A_136 : memref<1x128x128xf32, #tpu.memory_space<vmem>> -> memref<128x128xf32, #tpu.memory_space<vmem>>
      %dma_wait3A_138 = arith.constant 0 : i32
      %dma_wait3A_139 = tpu.memref_slice %arg6[%add3A_125, %dma_wait3A_138] : memref<400x128xi32, #tpu.memory_space<vmem>> -> memref<1x128xi32, #tpu.memory_space<vmem>>
      %dma_wait3A_140 = tpu.memref_squeeze %dma_wait3A_139 : memref<1x128xi32, #tpu.memory_space<vmem>> -> memref<128xi32, #tpu.memory_space<vmem>>
      %dma_wait3A_141 = arith.constant 0 : i32
      %dma_wait3A_142 = arith.constant 0 : i32
      %dma_wait3A_143 = tpu.memref_slice %arg5[%dma_wait3A_141, %dma_wait3A_142] : memref<5x128xf32, #tpu.memory_space<vmem_shared>> -> memref<5x128xf32, #tpu.memory_space<vmem_shared>>
      tpu.wait_indirect_dma semaphore(%arg8 : memref<!tpu.dma_semaphore, #tpu.memory_space<semaphore_mem>>) src(%dma_wait3A_143 : memref<5x128xf32, #tpu.memory_space<vmem_shared>>) dst(%dma_wait3A_137 : memref<128x128xf32, #tpu.memory_space<vmem>>)
      %mul3A_144 = arith.constant 128 : i32
      %mul3A_145 = arith.muli %add3A_125, %mul3A_144 : i32
      %add3A_146 = arith.addi %mul3A_2, %mul3A_145 : i32
      %dma_start3A_147 = arith.constant 1 : i32
      %dma_start3A_148 = arith.constant 0 : i32
      %dma_start3A_149 = arith.constant 0 : i32
      %dma_start3A_150 = tpu.memref_slice %arg7[%dma_start3A_147, %dma_start3A_148, %dma_start3A_149] : memref<4x128x128xf32, #tpu.memory_space<vmem>> -> memref<1x128x128xf32, #tpu.memory_space<vmem>>
      %dma_start3A_151 = tpu.memref_squeeze %dma_start3A_150 : memref<1x128x128xf32, #tpu.memory_space<vmem>> -> memref<128x128xf32, #tpu.memory_space<vmem>>
      %dma_start3A_152 = arith.constant 0 : i32
      %dma_start3A_153 = tpu.memref_slice %arg4[%add3A_146, %dma_start3A_152] : memref<1638400x128xf32, #tpu.memory_space<hbm>> -> memref<128x128xf32, #tpu.memory_space<hbm>>
      %dma_start3A_154 = arith.constant 0 : i32
      %dma_start3A_155 = tpu.memref_slice %arg4[%add3A_146, %dma_start3A_154] : memref<1638400x128xf32, #tpu.memory_space<hbm>> -> memref<128x128xf32, #tpu.memory_space<hbm>>
      %dma_start3A_156 = arith.constant 0 : i32
      %dma_start3A_157 = arith.constant 0 : i32
      %dma_start3A_158 = tpu.memref_slice %arg7[%dma_start3A_147, %dma_start3A_156, %dma_start3A_157] : memref<4x128x128xf32, #tpu.memory_space<vmem>> -> memref<1x128x128xf32, #tpu.memory_space<vmem>>
      %dma_start3A_159 = tpu.memref_squeeze %dma_start3A_158 : memref<1x128x128xf32, #tpu.memory_space<vmem>> -> memref<128x128xf32, #tpu.memory_space<vmem>>
      tpu.enqueue_dma source(%dma_start3A_159 : memref<128x128xf32, #tpu.memory_space<vmem>>) target(%dma_start3A_155 : memref<128x128xf32, #tpu.memory_space<hbm>>) target_semaphore(%arg9 : memref<!tpu.dma_semaphore, #tpu.memory_space<semaphore_mem>>)
      %mul3A_160 = arith.constant 4 : i32
      %mul3A_161 = arith.muli %scan3A_84, %mul3A_160 : i32
      %add3A_162 = arith.constant 2 : i32
      %add3A_163 = arith.addi %mul3A_161, %add3A_162 : i32
      %add3A_164 = arith.constant 2 : i32
      %add3A_165 = arith.addi %add3A_163, %add3A_164 : i32
      %lt3A_166 = arith.constant 400 : i32
      %lt3A_167 = arith.cmpi slt, %add3A_165, %lt3A_166 : i32
      %convert_element_type3A_168 = arith.extui %lt3A_167 : i1 to i32
      %cond3A_169 = arith.constant 0 : i32
      %cond3A_170 = arith.cmpi ne, %convert_element_type3A_168, %cond3A_169 : i32
      scf.if %cond3A_170 {
        %add3A_236 = arith.constant 2 : i32
        %add3A_237 = arith.addi %add3A_163, %add3A_236 : i32
        %ge3A = arith.constant 4 : i32
        %ge3A_238 = arith.cmpi sge, %add3A_237, %ge3A : i32
        %convert_element_type3A_239 = arith.extui %ge3A_238 : i1 to i32
        %cond3A_240 = arith.constant 0 : i32
        %cond3A_241 = arith.cmpi ne, %convert_element_type3A_239, %cond3A_240 : i32
        scf.if %cond3A_241 {
          %add3A_255 = arith.constant 2 : i32
          %add3A_256 = arith.addi %add3A_163, %add3A_255 : i32
          %sub3A = arith.constant 4 : i32
          %sub3A_257 = arith.subi %add3A_256, %sub3A : i32
          %mul3A_258 = arith.constant 128 : i32
          %mul3A_259 = arith.muli %sub3A_257, %mul3A_258 : i32
          %add3A_260 = arith.addi %mul3A_2, %mul3A_259 : i32
          %dma_wait3A_261 = arith.constant 0 : i32
          %dma_wait3A_262 = arith.constant 0 : i32
          %dma_wait3A_263 = arith.constant 0 : i32
          %dma_wait3A_264 = tpu.memref_slice %arg7[%dma_wait3A_261, %dma_wait3A_262, %dma_wait3A_263] : memref<4x128x128xf32, #tpu.memory_space<vmem>> -> memref<1x128x128xf32, #tpu.memory_space<vmem>>
          %dma_wait3A_265 = tpu.memref_squeeze %dma_wait3A_264 : memref<1x128x128xf32, #tpu.memory_space<vmem>> -> memref<128x128xf32, #tpu.memory_space<vmem>>
          %dma_wait3A_266 = arith.constant 0 : i32
          %dma_wait3A_267 = tpu.memref_slice %arg4[%add3A_260, %dma_wait3A_266] : memref<1638400x128xf32, #tpu.memory_space<hbm>> -> memref<128x128xf32, #tpu.memory_space<hbm>>
          %dma_wait3A_268 = arith.constant 0 : i32
          %dma_wait3A_269 = tpu.memref_slice %arg4[%add3A_260, %dma_wait3A_268] : memref<1638400x128xf32, #tpu.memory_space<hbm>> -> memref<128x128xf32, #tpu.memory_space<hbm>>
          %dma_wait3A_270 = arith.constant 0 : i32
          %dma_wait3A_271 = arith.constant 0 : i32
          %dma_wait3A_272 = tpu.memref_slice %arg7[%dma_wait3A_261, %dma_wait3A_270, %dma_wait3A_271] : memref<4x128x128xf32, #tpu.memory_space<vmem>> -> memref<1x128x128xf32, #tpu.memory_space<vmem>>
          %dma_wait3A_273 = tpu.memref_squeeze %dma_wait3A_272 : memref<1x128x128xf32, #tpu.memory_space<vmem>> -> memref<128x128xf32, #tpu.memory_space<vmem>>
          tpu.wait_dma2 semaphore(%arg9 : memref<!tpu.dma_semaphore, #tpu.memory_space<semaphore_mem>>) src(%dma_wait3A_273 : memref<128x128xf32, #tpu.memory_space<vmem>>) dst(%dma_wait3A_269 : memref<128x128xf32, #tpu.memory_space<hbm>>)
        } else {
        }
        %add3A_242 = arith.constant 2 : i32
        %add3A_243 = arith.addi %add3A_163, %add3A_242 : i32
        %dma_start3A_244 = arith.constant 0 : i32
        %dma_start3A_245 = arith.constant 0 : i32
        %dma_start3A_246 = arith.constant 0 : i32
        %dma_start3A_247 = tpu.memref_slice %arg7[%dma_start3A_244, %dma_start3A_245, %dma_start3A_246] : memref<4x128x128xf32, #tpu.memory_space<vmem>> -> memref<1x128x128xf32, #tpu.memory_space<vmem>>
        %dma_start3A_248 = tpu.memref_squeeze %dma_start3A_247 : memref<1x128x128xf32, #tpu.memory_space<vmem>> -> memref<128x128xf32, #tpu.memory_space<vmem>>
        %dma_start3A_249 = arith.constant 0 : i32
        %dma_start3A_250 = tpu.memref_slice %arg6[%add3A_243, %dma_start3A_249] : memref<400x128xi32, #tpu.memory_space<vmem>> -> memref<1x128xi32, #tpu.memory_space<vmem>>
        %dma_start3A_251 = tpu.memref_squeeze %dma_start3A_250 : memref<1x128xi32, #tpu.memory_space<vmem>> -> memref<128xi32, #tpu.memory_space<vmem>>
        %dma_start3A_252 = arith.constant 0 : i32
        %dma_start3A_253 = arith.constant 0 : i32
        %dma_start3A_254 = tpu.memref_slice %arg5[%dma_start3A_252, %dma_start3A_253] : memref<5x128xf32, #tpu.memory_space<vmem_shared>> -> memref<5x128xf32, #tpu.memory_space<vmem_shared>>
        tpu.enqueue_indirect_dma source(%dma_start3A_254 : memref<5x128xf32, #tpu.memory_space<vmem_shared>>) target(%dma_start3A_248 : memref<128x128xf32, #tpu.memory_space<vmem>>) offsets(%dma_start3A_251 : memref<128xi32, #tpu.memory_space<vmem>>) semaphore(%arg8 : memref<!tpu.dma_semaphore, #tpu.memory_space<semaphore_mem>>)
      } else {
      }
      %dma_wait3A_171 = arith.constant 2 : i32
      %dma_wait3A_172 = arith.constant 0 : i32
      %dma_wait3A_173 = arith.constant 0 : i32
      %dma_wait3A_174 = tpu.memref_slice %arg7[%dma_wait3A_171, %dma_wait3A_172, %dma_wait3A_173] : memref<4x128x128xf32, #tpu.memory_space<vmem>> -> memref<1x128x128xf32, #tpu.memory_space<vmem>>
      %dma_wait3A_175 = tpu.memref_squeeze %dma_wait3A_174 : memref<1x128x128xf32, #tpu.memory_space<vmem>> -> memref<128x128xf32, #tpu.memory_space<vmem>>
      %dma_wait3A_176 = arith.constant 0 : i32
      %dma_wait3A_177 = tpu.memref_slice %arg6[%add3A_163, %dma_wait3A_176] : memref<400x128xi32, #tpu.memory_space<vmem>> -> memref<1x128xi32, #tpu.memory_space<vmem>>
      %dma_wait3A_178 = tpu.memref_squeeze %dma_wait3A_177 : memref<1x128xi32, #tpu.memory_space<vmem>> -> memref<128xi32, #tpu.memory_space<vmem>>
      %dma_wait3A_179 = arith.constant 0 : i32
      %dma_wait3A_180 = arith.constant 0 : i32
      %dma_wait3A_181 = tpu.memref_slice %arg5[%dma_wait3A_179, %dma_wait3A_180] : memref<5x128xf32, #tpu.memory_space<vmem_shared>> -> memref<5x128xf32, #tpu.memory_space<vmem_shared>>
      tpu.wait_indirect_dma semaphore(%arg8 : memref<!tpu.dma_semaphore, #tpu.memory_space<semaphore_mem>>) src(%dma_wait3A_181 : memref<5x128xf32, #tpu.memory_space<vmem_shared>>) dst(%dma_wait3A_175 : memref<128x128xf32, #tpu.memory_space<vmem>>)
      %mul3A_182 = arith.constant 128 : i32
      %mul3A_183 = arith.muli %add3A_163, %mul3A_182 : i32
      %add3A_184 = arith.addi %mul3A_2, %mul3A_183 : i32
      %dma_start3A_185 = arith.constant 2 : i32
      %dma_start3A_186 = arith.constant 0 : i32
      %dma_start3A_187 = arith.constant 0 : i32
      %dma_start3A_188 = tpu.memref_slice %arg7[%dma_start3A_185, %dma_start3A_186, %dma_start3A_187] : memref<4x128x128xf32, #tpu.memory_space<vmem>> -> memref<1x128x128xf32, #tpu.memory_space<vmem>>
      %dma_start3A_189 = tpu.memref_squeeze %dma_start3A_188 : memref<1x128x128xf32, #tpu.memory_space<vmem>> -> memref<128x128xf32, #tpu.memory_space<vmem>>
      %dma_start3A_190 = arith.constant 0 : i32
      %dma_start3A_191 = tpu.memref_slice %arg4[%add3A_184, %dma_start3A_190] : memref<1638400x128xf32, #tpu.memory_space<hbm>> -> memref<128x128xf32, #tpu.memory_space<hbm>>
      %dma_start3A_192 = arith.constant 0 : i32
      %dma_start3A_193 = tpu.memref_slice %arg4[%add3A_184, %dma_start3A_192] : memref<1638400x128xf32, #tpu.memory_space<hbm>> -> memref<128x128xf32, #tpu.memory_space<hbm>>
      %dma_start3A_194 = arith.constant 0 : i32
      %dma_start3A_195 = arith.constant 0 : i32
      %dma_start3A_196 = tpu.memref_slice %arg7[%dma_start3A_185, %dma_start3A_194, %dma_start3A_195] : memref<4x128x128xf32, #tpu.memory_space<vmem>> -> memref<1x128x128xf32, #tpu.memory_space<vmem>>
      %dma_start3A_197 = tpu.memref_squeeze %dma_start3A_196 : memref<1x128x128xf32, #tpu.memory_space<vmem>> -> memref<128x128xf32, #tpu.memory_space<vmem>>
      tpu.enqueue_dma source(%dma_start3A_197 : memref<128x128xf32, #tpu.memory_space<vmem>>) target(%dma_start3A_193 : memref<128x128xf32, #tpu.memory_space<hbm>>) target_semaphore(%arg9 : memref<!tpu.dma_semaphore, #tpu.memory_space<semaphore_mem>>)
      %mul3A_198 = arith.constant 4 : i32
      %mul3A_199 = arith.muli %scan3A_84, %mul3A_198 : i32
      %add3A_200 = arith.constant 3 : i32
      %add3A_201 = arith.addi %mul3A_199, %add3A_200 : i32
      %add3A_202 = arith.constant 2 : i32
      %add3A_203 = arith.addi %add3A_201, %add3A_202 : i32
      %lt3A_204 = arith.constant 400 : i32
      %lt3A_205 = arith.cmpi slt, %add3A_203, %lt3A_204 : i32
      %convert_element_type3A_206 = arith.extui %lt3A_205 : i1 to i32
      %cond3A_207 = arith.constant 0 : i32
      %cond3A_208 = arith.cmpi ne, %convert_element_type3A_206, %cond3A_207 : i32
      scf.if %cond3A_208 {
        %add3A_236 = arith.constant 2 : i32
        %add3A_237 = arith.addi %add3A_201, %add3A_236 : i32
        %ge3A = arith.constant 4 : i32
        %ge3A_238 = arith.cmpi sge, %add3A_237, %ge3A : i32
        %convert_element_type3A_239 = arith.extui %ge3A_238 : i1 to i32
        %cond3A_240 = arith.constant 0 : i32
        %cond3A_241 = arith.cmpi ne, %convert_element_type3A_239, %cond3A_240 : i32
        scf.if %cond3A_241 {
          %add3A_255 = arith.constant 2 : i32
          %add3A_256 = arith.addi %add3A_201, %add3A_255 : i32
          %sub3A = arith.constant 4 : i32
          %sub3A_257 = arith.subi %add3A_256, %sub3A : i32
          %mul3A_258 = arith.constant 128 : i32
          %mul3A_259 = arith.muli %sub3A_257, %mul3A_258 : i32
          %add3A_260 = arith.addi %mul3A_2, %mul3A_259 : i32
          %dma_wait3A_261 = arith.constant 1 : i32
          %dma_wait3A_262 = arith.constant 0 : i32
          %dma_wait3A_263 = arith.constant 0 : i32
          %dma_wait3A_264 = tpu.memref_slice %arg7[%dma_wait3A_261, %dma_wait3A_262, %dma_wait3A_263] : memref<4x128x128xf32, #tpu.memory_space<vmem>> -> memref<1x128x128xf32, #tpu.memory_space<vmem>>
          %dma_wait3A_265 = tpu.memref_squeeze %dma_wait3A_264 : memref<1x128x128xf32, #tpu.memory_space<vmem>> -> memref<128x128xf32, #tpu.memory_space<vmem>>
          %dma_wait3A_266 = arith.constant 0 : i32
          %dma_wait3A_267 = tpu.memref_slice %arg4[%add3A_260, %dma_wait3A_266] : memref<1638400x128xf32, #tpu.memory_space<hbm>> -> memref<128x128xf32, #tpu.memory_space<hbm>>
          %dma_wait3A_268 = arith.constant 0 : i32
          %dma_wait3A_269 = tpu.memref_slice %arg4[%add3A_260, %dma_wait3A_268] : memref<1638400x128xf32, #tpu.memory_space<hbm>> -> memref<128x128xf32, #tpu.memory_space<hbm>>
          %dma_wait3A_270 = arith.constant 0 : i32
          %dma_wait3A_271 = arith.constant 0 : i32
          %dma_wait3A_272 = tpu.memref_slice %arg7[%dma_wait3A_261, %dma_wait3A_270, %dma_wait3A_271] : memref<4x128x128xf32, #tpu.memory_space<vmem>> -> memref<1x128x128xf32, #tpu.memory_space<vmem>>
          %dma_wait3A_273 = tpu.memref_squeeze %dma_wait3A_272 : memref<1x128x128xf32, #tpu.memory_space<vmem>> -> memref<128x128xf32, #tpu.memory_space<vmem>>
          tpu.wait_dma2 semaphore(%arg9 : memref<!tpu.dma_semaphore, #tpu.memory_space<semaphore_mem>>) src(%dma_wait3A_273 : memref<128x128xf32, #tpu.memory_space<vmem>>) dst(%dma_wait3A_269 : memref<128x128xf32, #tpu.memory_space<hbm>>)
        } else {
        }
        %add3A_242 = arith.constant 2 : i32
        %add3A_243 = arith.addi %add3A_201, %add3A_242 : i32
        %dma_start3A_244 = arith.constant 1 : i32
        %dma_start3A_245 = arith.constant 0 : i32
        %dma_start3A_246 = arith.constant 0 : i32
        %dma_start3A_247 = tpu.memref_slice %arg7[%dma_start3A_244, %dma_start3A_245, %dma_start3A_246] : memref<4x128x128xf32, #tpu.memory_space<vmem>> -> memref<1x128x128xf32, #tpu.memory_space<vmem>>
        %dma_start3A_248 = tpu.memref_squeeze %dma_start3A_247 : memref<1x128x128xf32, #tpu.memory_space<vmem>> -> memref<128x128xf32, #tpu.memory_space<vmem>>
        %dma_start3A_249 = arith.constant 0 : i32
        %dma_start3A_250 = tpu.memref_slice %arg6[%add3A_243, %dma_start3A_249] : memref<400x128xi32, #tpu.memory_space<vmem>> -> memref<1x128xi32, #tpu.memory_space<vmem>>
        %dma_start3A_251 = tpu.memref_squeeze %dma_start3A_250 : memref<1x128xi32, #tpu.memory_space<vmem>> -> memref<128xi32, #tpu.memory_space<vmem>>
        %dma_start3A_252 = arith.constant 0 : i32
        %dma_start3A_253 = arith.constant 0 : i32
        %dma_start3A_254 = tpu.memref_slice %arg5[%dma_start3A_252, %dma_start3A_253] : memref<5x128xf32, #tpu.memory_space<vmem_shared>> -> memref<5x128xf32, #tpu.memory_space<vmem_shared>>
        tpu.enqueue_indirect_dma source(%dma_start3A_254 : memref<5x128xf32, #tpu.memory_space<vmem_shared>>) target(%dma_start3A_248 : memref<128x128xf32, #tpu.memory_space<vmem>>) offsets(%dma_start3A_251 : memref<128xi32, #tpu.memory_space<vmem>>) semaphore(%arg8 : memref<!tpu.dma_semaphore, #tpu.memory_space<semaphore_mem>>)
      } else {
      }
      %dma_wait3A_209 = arith.constant 3 : i32
      %dma_wait3A_210 = arith.constant 0 : i32
      %dma_wait3A_211 = arith.constant 0 : i32
      %dma_wait3A_212 = tpu.memref_slice %arg7[%dma_wait3A_209, %dma_wait3A_210, %dma_wait3A_211] : memref<4x128x128xf32, #tpu.memory_space<vmem>> -> memref<1x128x128xf32, #tpu.memory_space<vmem>>
      %dma_wait3A_213 = tpu.memref_squeeze %dma_wait3A_212 : memref<1x128x128xf32, #tpu.memory_space<vmem>> -> memref<128x128xf32, #tpu.memory_space<vmem>>
      %dma_wait3A_214 = arith.constant 0 : i32
      %dma_wait3A_215 = tpu.memref_slice %arg6[%add3A_201, %dma_wait3A_214] : memref<400x128xi32, #tpu.memory_space<vmem>> -> memref<1x128xi32, #tpu.memory_space<vmem>>
      %dma_wait3A_216 = tpu.memref_squeeze %dma_wait3A_215 : memref<1x128xi32, #tpu.memory_space<vmem>> -> memref<128xi32, #tpu.memory_space<vmem>>
      %dma_wait3A_217 = arith.constant 0 : i32
      %dma_wait3A_218 = arith.constant 0 : i32
      %dma_wait3A_219 = tpu.memref_slice %arg5[%dma_wait3A_217, %dma_wait3A_218] : memref<5x128xf32, #tpu.memory_space<vmem_shared>> -> memref<5x128xf32, #tpu.memory_space<vmem_shared>>
      tpu.wait_indirect_dma semaphore(%arg8 : memref<!tpu.dma_semaphore, #tpu.memory_space<semaphore_mem>>) src(%dma_wait3A_219 : memref<5x128xf32, #tpu.memory_space<vmem_shared>>) dst(%dma_wait3A_213 : memref<128x128xf32, #tpu.memory_space<vmem>>)
      %mul3A_220 = arith.constant 128 : i32
      %mul3A_221 = arith.muli %add3A_201, %mul3A_220 : i32
      %add3A_222 = arith.addi %mul3A_2, %mul3A_221 : i32
      %dma_start3A_223 = arith.constant 3 : i32
      %dma_start3A_224 = arith.constant 0 : i32
      %dma_start3A_225 = arith.constant 0 : i32
      %dma_start3A_226 = tpu.memref_slice %arg7[%dma_start3A_223, %dma_start3A_224, %dma_start3A_225] : memref<4x128x128xf32, #tpu.memory_space<vmem>> -> memref<1x128x128xf32, #tpu.memory_space<vmem>>
      %dma_start3A_227 = tpu.memref_squeeze %dma_start3A_226 : memref<1x128x128xf32, #tpu.memory_space<vmem>> -> memref<128x128xf32, #tpu.memory_space<vmem>>
      %dma_start3A_228 = arith.constant 0 : i32
      %dma_start3A_229 = tpu.memref_slice %arg4[%add3A_222, %dma_start3A_228] : memref<1638400x128xf32, #tpu.memory_space<hbm>> -> memref<128x128xf32, #tpu.memory_space<hbm>>
      %dma_start3A_230 = arith.constant 0 : i32
      %dma_start3A_231 = tpu.memref_slice %arg4[%add3A_222, %dma_start3A_230] : memref<1638400x128xf32, #tpu.memory_space<hbm>> -> memref<128x128xf32, #tpu.memory_space<hbm>>
      %dma_start3A_232 = arith.constant 0 : i32
      %dma_start3A_233 = arith.constant 0 : i32
      %dma_start3A_234 = tpu.memref_slice %arg7[%dma_start3A_223, %dma_start3A_232, %dma_start3A_233] : memref<4x128x128xf32, #tpu.memory_space<vmem>> -> memref<1x128x128xf32, #tpu.memory_space<vmem>>
      %dma_start3A_235 = tpu.memref_squeeze %dma_start3A_234 : memref<1x128x128xf32, #tpu.memory_space<vmem>> -> memref<128x128xf32, #tpu.memory_space<vmem>>
      tpu.enqueue_dma source(%dma_start3A_235 : memref<128x128xf32, #tpu.memory_space<vmem>>) target(%dma_start3A_231 : memref<128x128xf32, #tpu.memory_space<hbm>>) target_semaphore(%arg9 : memref<!tpu.dma_semaphore, #tpu.memory_space<semaphore_mem>>)
    }
    %scan3A_32 = arith.constant 100 : i32
    %dma_wait3A = arith.constant 0 : i32
    %dma_wait3A_33 = arith.constant 0 : i32
    %dma_wait3A_34 = arith.constant 0 : i32
    %dma_wait3A_35 = tpu.memref_slice %arg7[%dma_wait3A, %dma_wait3A_33, %dma_wait3A_34] : memref<4x128x128xf32, #tpu.memory_space<vmem>> -> memref<1x128x128xf32, #tpu.memory_space<vmem>>
    %dma_wait3A_36 = tpu.memref_squeeze %dma_wait3A_35 : memref<1x128x128xf32, #tpu.memory_space<vmem>> -> memref<128x128xf32, #tpu.memory_space<vmem>>
    %dma_wait3A_37 = arith.constant 0 : i32
    %dma_wait3A_38 = tpu.memref_slice %arg4[%mul3A_2, %dma_wait3A_37] : memref<1638400x128xf32, #tpu.memory_space<hbm>> -> memref<128x128xf32, #tpu.memory_space<hbm>>
    %dma_wait3A_39 = arith.constant 0 : i32
    %dma_wait3A_40 = tpu.memref_slice %arg4[%mul3A_2, %dma_wait3A_39] : memref<1638400x128xf32, #tpu.memory_space<hbm>> -> memref<128x128xf32, #tpu.memory_space<hbm>>
    %dma_wait3A_41 = arith.constant 0 : i32
    %dma_wait3A_42 = arith.constant 0 : i32
    %dma_wait3A_43 = tpu.memref_slice %arg7[%dma_wait3A, %dma_wait3A_41, %dma_wait3A_42] : memref<4x128x128xf32, #tpu.memory_space<vmem>> -> memref<1x128x128xf32, #tpu.memory_space<vmem>>
    %dma_wait3A_44 = tpu.memref_squeeze %dma_wait3A_43 : memref<1x128x128xf32, #tpu.memory_space<vmem>> -> memref<128x128xf32, #tpu.memory_space<vmem>>
    tpu.wait_dma2 semaphore(%arg9 : memref<!tpu.dma_semaphore, #tpu.memory_space<semaphore_mem>>) src(%dma_wait3A_44 : memref<128x128xf32, #tpu.memory_space<vmem>>) dst(%dma_wait3A_40 : memref<128x128xf32, #tpu.memory_space<hbm>>)
    %dma_wait3A_45 = arith.constant 0 : i32
    %dma_wait3A_46 = arith.constant 0 : i32
    %dma_wait3A_47 = arith.constant 0 : i32
    %dma_wait3A_48 = tpu.memref_slice %arg7[%dma_wait3A_45, %dma_wait3A_46, %dma_wait3A_47] : memref<4x128x128xf32, #tpu.memory_space<vmem>> -> memref<1x128x128xf32, #tpu.memory_space<vmem>>
    %dma_wait3A_49 = tpu.memref_squeeze %dma_wait3A_48 : memref<1x128x128xf32, #tpu.memory_space<vmem>> -> memref<128x128xf32, #tpu.memory_space<vmem>>
    %dma_wait3A_50 = arith.constant 0 : i32
    %dma_wait3A_51 = tpu.memref_slice %arg4[%mul3A_2, %dma_wait3A_50] : memref<1638400x128xf32, #tpu.memory_space<hbm>> -> memref<128x128xf32, #tpu.memory_space<hbm>>
    %dma_wait3A_52 = arith.constant 0 : i32
    %dma_wait3A_53 = tpu.memref_slice %arg4[%mul3A_2, %dma_wait3A_52] : memref<1638400x128xf32, #tpu.memory_space<hbm>> -> memref<128x128xf32, #tpu.memory_space<hbm>>
    %dma_wait3A_54 = arith.constant 0 : i32
    %dma_wait3A_55 = arith.constant 0 : i32
    %dma_wait3A_56 = tpu.memref_slice %arg7[%dma_wait3A_45, %dma_wait3A_54, %dma_wait3A_55] : memref<4x128x128xf32, #tpu.memory_space<vmem>> -> memref<1x128x128xf32, #tpu.memory_space<vmem>>
    %dma_wait3A_57 = tpu.memref_squeeze %dma_wait3A_56 : memref<1x128x128xf32, #tpu.memory_space<vmem>> -> memref<128x128xf32, #tpu.memory_space<vmem>>
    tpu.wait_dma2 semaphore(%arg9 : memref<!tpu.dma_semaphore, #tpu.memory_space<semaphore_mem>>) src(%dma_wait3A_57 : memref<128x128xf32, #tpu.memory_space<vmem>>) dst(%dma_wait3A_53 : memref<128x128xf32, #tpu.memory_space<hbm>>)
    %dma_wait3A_58 = arith.constant 0 : i32
    %dma_wait3A_59 = arith.constant 0 : i32
    %dma_wait3A_60 = arith.constant 0 : i32
    %dma_wait3A_61 = tpu.memref_slice %arg7[%dma_wait3A_58, %dma_wait3A_59, %dma_wait3A_60] : memref<4x128x128xf32, #tpu.memory_space<vmem>> -> memref<1x128x128xf32, #tpu.memory_space<vmem>>
    %dma_wait3A_62 = tpu.memref_squeeze %dma_wait3A_61 : memref<1x128x128xf32, #tpu.memory_space<vmem>> -> memref<128x128xf32, #tpu.memory_space<vmem>>
    %dma_wait3A_63 = arith.constant 0 : i32
    %dma_wait3A_64 = tpu.memref_slice %arg4[%mul3A_2, %dma_wait3A_63] : memref<1638400x128xf32, #tpu.memory_space<hbm>> -> memref<128x128xf32, #tpu.memory_space<hbm>>
    %dma_wait3A_65 = arith.constant 0 : i32
    %dma_wait3A_66 = tpu.memref_slice %arg4[%mul3A_2, %dma_wait3A_65] : memref<1638400x128xf32, #tpu.memory_space<hbm>> -> memref<128x128xf32, #tpu.memory_space<hbm>>
    %dma_wait3A_67 = arith.constant 0 : i32
    %dma_wait3A_68 = arith.constant 0 : i32
    %dma_wait3A_69 = tpu.memref_slice %arg7[%dma_wait3A_58, %dma_wait3A_67, %dma_wait3A_68] : memref<4x128x128xf32, #tpu.memory_space<vmem>> -> memref<1x128x128xf32, #tpu.memory_space<vmem>>
    %dma_wait3A_70 = tpu.memref_squeeze %dma_wait3A_69 : memref<1x128x128xf32, #tpu.memory_space<vmem>> -> memref<128x128xf32, #tpu.memory_space<vmem>>
    tpu.wait_dma2 semaphore(%arg9 : memref<!tpu.dma_semaphore, #tpu.memory_space<semaphore_mem>>) src(%dma_wait3A_70 : memref<128x128xf32, #tpu.memory_space<vmem>>) dst(%dma_wait3A_66 : memref<128x128xf32, #tpu.memory_space<hbm>>)
    %dma_wait3A_71 = arith.constant 0 : i32
    %dma_wait3A_72 = arith.constant 0 : i32
    %dma_wait3A_73 = arith.constant 0 : i32
    %dma_wait3A_74 = tpu.memref_slice %arg7[%dma_wait3A_71, %dma_wait3A_72, %dma_wait3A_73] : memref<4x128x128xf32, #tpu.memory_space<vmem>> -> memref<1x128x128xf32, #tpu.memory_space<vmem>>
    %dma_wait3A_75 = tpu.memref_squeeze %dma_wait3A_74 : memref<1x128x128xf32, #tpu.memory_space<vmem>> -> memref<128x128xf32, #tpu.memory_space<vmem>>
    %dma_wait3A_76 = arith.constant 0 : i32
    %dma_wait3A_77 = tpu.memref_slice %arg4[%mul3A_2, %dma_wait3A_76] : memref<1638400x128xf32, #tpu.memory_space<hbm>> -> memref<128x128xf32, #tpu.memory_space<hbm>>
    %dma_wait3A_78 = arith.constant 0 : i32
    %dma_wait3A_79 = tpu.memref_slice %arg4[%mul3A_2, %dma_wait3A_78] : memref<1638400x128xf32, #tpu.memory_space<hbm>> -> memref<128x128xf32, #tpu.memory_space<hbm>>
    %dma_wait3A_80 = arith.constant 0 : i32
    %dma_wait3A_81 = arith.constant 0 : i32
    %dma_wait3A_82 = tpu.memref_slice %arg7[%dma_wait3A_71, %dma_wait3A_80, %dma_wait3A_81] : memref<4x128x128xf32, #tpu.memory_space<vmem>> -> memref<1x128x128xf32, #tpu.memory_space<vmem>>
    %dma_wait3A_83 = tpu.memref_squeeze %dma_wait3A_82 : memref<1x128x128xf32, #tpu.memory_space<vmem>> -> memref<128x128xf32, #tpu.memory_space<vmem>>
    tpu.wait_dma2 semaphore(%arg9 : memref<!tpu.dma_semaphore, #tpu.memory_space<semaphore_mem>>) src(%dma_wait3A_83 : memref<128x128xf32, #tpu.memory_space<vmem>>) dst(%dma_wait3A_79 : memref<128x128xf32, #tpu.memory_space<hbm>>)
    return
  }
}

</mosaic_0001>

<sc_bundles>
// kernel: kernel.3.cloned.1.call-start
scs
__scs_entry_jumppad:
0x0: {  	(pc) =	sbr.rel $0x88, $3  }
0x1: {  	(tag) =	ssettag $0x0;
	lr =	simm.s32 $0x1  }
0x2: {  	[smem:$0x3F9F] =	sst lr;
	_ =	strace $0xD0000000  }
0x3: {  	_ = 	snop  }
0x4: {  	_ = 	snop  }
0x5: {  	_ = 	snop  }
0x6: {  	_ = 	snop  }
0x7: {  	_ = 	snop  }
__scs_overlays_trampoline_lowered:
0x8: {  	[smem:$0x3FAE] =	sst s0  }
0x9: {  	[smem:$0x3FAF] =	sst s1  }
0xa: {  	[smem:$0x3FB0] =	sst s2  }
0xb: {  	[smem:$0x3FB1] =	sst s3  }
0xc: {  	[smem:$0x3FB2] =	sst s4  }
0xd: {  	[smem:$0x3FB3] =	sst s5  }
0xe: {  	[smem:$0x3FB4] =	sst s6  }
0xf: {  	[smem:$0x3FB5] =	sst s7  }
0x10: {  	[smem:$0x3FB6] =	sst s8  }
0x11: {  	[smem:$0x3FB7] =	sst s9;
	s0 =	simm.s32 @!p0 $0x0  }
0x12: {  	s1 =	sld [smem:$0x3F9D];
	s0 =	simm.s32 @p0 $0x1  }
0x13: {  	[smem:$0x3FB8] =	sst s0;
	s0 =	simm.s32 @!p1 $0x0  }
0x14: {  	s2 =	sld [smem:$0x3F9C];
	s0 =	simm.s32 @p1 $0x1  }
0x15: {  	[smem:$0x3FB9] =	sst s0;
	s0 =	simm.s32 @!p2 $0x0  }
0x16: {  	s3 =	sld [smem:$0x3FDB];
	s0 =	simm.s32 @p2 $0x1  }
0x17: {  	s4 =	simm.s32 $0x1BF5;
	[smem:$0x3FBB] =	sst s0  }
0x18: {  	s0 =	sld [smem:$0x3F9E];
	_ =	swait.ge [sflag:s4], $0x0  }
0x19: {  	s7 =	sld [smem:$0x3F9F]  }
0x1a: {  	s8 =	sadd.s32 $0xFFFFE003, lr  }
0x1b: {  	s9 =	sadd.s32 $0xFFFFFEF7, lr;
	s5 =	simm.s32 $0xFFFFFFFF;
	p2 =	slt.u32 s8, $0xFFFFF086  }
0x1c: {  	p1 =	slt.u32 s9, $0xF7A;
	s5 =	simm.s32 @!p2 $0x0  }
0x1d: {  	s5 =	simm.s32 @p1 $0x1;
	p0 =	seq.s32 s7, s2  }
0x1e: {  	s7 =	smul.u32 @!p0 $0xF7A, s2;
	p2 =	seq.s32 @!p0 s5, $0x0  }
0x1f: {  	s9 =	smul.u32 $0xF7A, s1;
	s8 =	simm.s32 @!p0 $0x1BF5;
	p2 =	por !p2, p0  }
0x20: {  	[sflag:s8] =	ssyncset.s32 @!p0 $0xFFFFF086;
	s6 =	sadd.s32 @!p0 s3, s7;
	s7 =	simm.s32 @!p0 $0x108  }
0x21: {  	s3 =	sadd.s32 s3, s9;
	s6 =	sadd.s32 @!p0 $0x88, s6;
	s7 =	simm.s32 @p2 $0x1082  }
0x22: {  	[simem:s7], [sflag:s8] =	dma.local @!p0 [hbm:s6], $0xF7A  }
0x23: {  	s9 =	sor.u32 $0xD0000000, s2;
	s6 =	simm.s32 $0x108;
	_ =	swait.ge @!p0 [sflag:s8], $0x0  }
0x24: {  	s3 =	sadd.s32 $0x88, s3;
	s6 =	simm.s32 @!p1 $0x1082;
	[sflag:s4] =	ssyncset.s32 $0xFFFFF086  }
0x25: {  	[simem:s6], [sflag:s4] =	dma.local [hbm:s3], $0xF7A  }
0x26: {  	[smem:$0x3F9F] =	sst s1;
	(tag) =	ssettag s2;
	_ =	strace s9  }
0x27: {  	s1 =	sld [smem:$0x3FAF]  }
0x28: {  	s2 =	sld [smem:$0x3FB0]  }
0x29: {  	s4 =	sld [smem:$0x3FB2]  }
0x2a: {  	p0 =	seq.s32 s5, $0x0;
	s5 =	sld [smem:$0x3FB3]  }
0x2b: {  	s6 =	sld [smem:$0x3FB4]  }
0x2c: {  	s7 =	sld [smem:$0x3FB5]  }
0x2d: {  	s3 =	simm.s32 $0x108;
	s8 =	sld [smem:$0x3FB6]  }
0x2e: {  	s3 =	simm.s32 @!p0 $0x1082;
	s9 =	sld [smem:$0x3FB7]  }
0x2f: {  	lr =	sadd.s32 s0, s3;
	s0 =	sld [smem:$0x3FAE]  }
0x30: {  	s3 =	sld [smem:$0x3FB1]  }
0x31: {  	[smem:$0x3FBA] =	sst s10  }
0x32: {  	s10 =	sld [smem:$0x3FB8];
	_ =	sdelay $0x3  }
0x33: {  	p0 =	seq.s32 s10, $0x1;
	s10 =	sld [smem:$0x3FBA];
	_ =	sdelay $0x3  }
0x34: {  	[smem:$0x3FBA] =	sst s10  }
0x35: {  	s10 =	sld [smem:$0x3FB9];
	_ =	sdelay $0x3  }
0x36: {  	p1 =	seq.s32 s10, $0x1;
	s10 =	sld [smem:$0x3FBA];
	_ =	sdelay $0x3  }
0x37: {  	[smem:$0x3FBA] =	sst s10  }
0x38: {  	s10 =	sld [smem:$0x3FBB]  }
0x39: {  	_ = 	snop;
	(pc) =	sbr.ind lr, $3  }
0x3a: {  	_ = 	snop  }
0x3b: {  	_ = 	snop  }
0x3c: {  	p2 =	seq.s32 s10, $0x1;
	s10 =	sld [smem:$0x3FBA]  }
0x3d: {  	_ =	shalt  }
0x3e: {  	_ =	shalt  }
0x3f: {  	_ =	shalt  }
0x40: {  	_ =	shalt  }
0x41: {  	_ =	shalt  }
0x42: {  	_ =	shalt  }
0x43: {  	_ =	shalt  }
0x44: {  	_ =	shalt  }
0x45: {  	_ =	shalt  }
0x46: {  	_ =	shalt  }
0x47: {  	_ =	shalt  }
0x48: {  	_ =	shalt  }
0x49: {  	_ =	shalt  }
0x4a: {  	_ =	shalt  }
0x4b: {  	_ =	shalt  }
0x4c: {  	_ =	shalt  }
0x4d: {  	_ =	shalt  }
0x4e: {  	_ =	shalt  }
0x4f: {  	_ =	shalt  }
0x50: {  	_ =	shalt  }
0x51: {  	_ =	shalt  }
0x52: {  	_ =	shalt  }
0x53: {  	_ =	shalt  }
0x54: {  	_ =	shalt  }
0x55: {  	_ =	shalt  }
0x56: {  	_ =	shalt  }
0x57: {  	_ =	shalt  }
0x58: {  	_ =	shalt  }
0x59: {  	_ =	shalt  }
0x5a: {  	_ =	shalt  }
0x5b: {  	_ =	shalt  }
0x5c: {  	_ =	shalt  }
0x5d: {  	_ =	shalt  }
0x5e: {  	_ =	shalt  }
0x5f: {  	_ =	shalt  }
0x60: {  	_ =	shalt  }
0x61: {  	_ =	shalt  }
0x62: {  	_ =	shalt  }
0x63: {  	_ =	shalt  }
0x64: {  	_ =	shalt  }
0x65: {  	_ =	shalt  }
0x66: {  	_ =	shalt  }
0x67: {  	_ =	shalt  }
0x68: {  	_ =	shalt  }
0x69: {  	_ =	shalt  }
0x6a: {  	_ =	shalt  }
0x6b: {  	_ =	shalt  }
0x6c: {  	_ =	shalt  }
0x6d: {  	_ =	shalt  }
0x6e: {  	_ =	shalt  }
0x6f: {  	_ =	shalt  }
0x70: {  	_ =	shalt  }
0x71: {  	_ =	shalt  }
0x72: {  	_ =	shalt  }
0x73: {  	_ =	shalt  }
0x74: {  	_ =	shalt  }
0x75: {  	_ =	shalt  }
0x76: {  	_ =	shalt  }
0x77: {  	_ =	shalt  }
0x78: {  	_ =	shalt  }
0x79: {  	_ =	shalt  }
0x7a: {  	_ =	shalt  }
0x7b: {  	_ =	shalt  }
0x7c: {  	_ =	shalt  }
0x7d: {  	_ =	shalt  }
0x7e: {  	_ =	shalt  }
0x7f: {  	_ =	shalt  }
0x80: {  	_ =	shalt  }
0x81: {  	_ =	shalt  }
0x82: {  	_ =	shalt  }
0x83: {  	_ =	shalt  }
0x84: {  	_ =	shalt  }
0x85: {  	_ =	shalt  }
0x86: {  	_ =	shalt  }
0x87: {  	_ =	shalt  }
.Lfunc_end0:
.L_simem_size_0:
called_computation.1_lowered:
.L_overlay_start_0:
0x88: {  	s2 =	sld [smem:$0x3FD9]  }
0x89: {  	s3 =	sld [smem:$0x3FFE];
	_ =	sdelay $0x1  }
0x8a: {  	s1 =	srdreg.scid  }
0x8b: {  	s0 =	sand.u32 $0x1, s1  }
0x8c: {  	s17 =	sshll.u32 s0, $0xA;
	s2 =	sadd.s32 s3, s2  }
0x8d: {  	s2 =	sadd.s32 s2, s17  }
0x8e: {  	[smem:$0x3FC6] =	sst s2  }
0x8f: {  	_ = 	snop  }
0x90: {  	s2 =	sld [smem:$0x3FC8]  }
0x91: {  	s18 =	sld [smem:$0x3FD0];
	(tm) =	ssettm $0x1  }
0x92: {  	s4 =	sld [smem:$0x3FFB];
	_ =	sdelay $0x3  }
0x93: {  	_ =	strace s4  }
0x94: {  	s4 =	sld [smem:$0x3FFC];
	_ =	sdelay $0x3  }
0x95: {  	_ =	strace s4  }
0x96: {  	s4 =	sld [smem:$0x3FFD];
	_ =	sdelay $0x3  }
0x97: {  	_ =	strace s4  }
0x98: {  	_ =	strace $0x8FFFFFFF  }
0x99: {  	s19 =	sld [smem:$0x3FDB];
	_ =	sdelay $0x1  }
0x9a: {  	s5 =	simm.s32 $_scs_section_size  }
0x9b: {  	s6 =	simm.s32 $_size__tile_overlayer_lowered;
	s7 =	simm.s32 $_tile_overlayer_lowered  }
0x9c: {  	s22 =	simm.s32 $0x1BFF;
	s21 =	sshll.u32 s7, $0x1;
	s4 =	sadd.s32 s5, s19  }
0x9d: {  	s8 =	simm.s32 $0x0;
	s20 =	sshll.u32 s6, $0x1;
	s6 =	sadd.s32 s21, s4  }
0x9e: {  	[timem:s8], [sflag:s22] =	dma.local [hbm:s6], s20  }
0x9f: {  	_ =	swait.ge [sflag:s22], s20  }
0xa0: {  	s5 =	ssub.s32 $0x0, s20;
	[sflag:s22] =	ssyncset.done $0x0  }
0xa1: {  	[sflag:s22] =	ssyncadd.s32 s5;
	_ =	sdelay $0x1  }
0xa2: {  	s23 =	simm.s32 $0x1B8B  }
0xa3: {  	_ =	swait.ge [sflag:s23], $0x1  }
0xa4: {  	[sflag:s23] =	ssyncset.done $0x0  }
0xa5: {  	s25 =	simm.s32 $0x1B8E;
	s24 =	sld [smem:$0x3FFE];
	[sflag:s23] =	ssyncadd.s32 $0xFFFFFFFF  }
0xa6: {  	s26 =	simm.s32 $execute0_lowered;
	[smem:$0x3FD2] =	sst s25  }
0xa7: {  	s6 =	sshll.u32 s26, $0x1;
	_ =	strace $0x80000046;
	[dreg:$0x1] =	wrdreg $0xFFFFFFFF  }
0xa8: {  	s28 =	simm.s32 $_size_execute0_lowered;
	s4 =	sadd.s32 s4, s6;
	[dreg:$0x0] =	wrdreg $0x0  }
0xa9: {  	s6 =	sshll.u32 s28, $0x1;
	[dreg:$0x2] =	wrdreg s4  }
0xaa: {  	[dreg:$0x3] =	wrdreg s6  }
0xab: {  	[dreg:$0x4] =	wrdreg $0xC0  }
0xac: {  	_ =	task [dreg:s8], $0x5FFFF  }
0xad: {  	[dreg:$0x1] =	wrdreg $0xFFFFFFFF  }
0xae: {  	[dreg:$0x0] =	wrdreg $0x60  }
0xaf: {  	[dreg:$0x2] =	wrdreg s24  }
0xb0: {  	[dreg:$0x3] =	wrdreg s2  }
0xb1: {  	[dreg:$0x4] =	wrdreg s18  }
0xb2: {  	[dreg:$0x5] =	wrdreg $0x0  }
0xb3: {  	[dreg:$0x6] =	wrdreg $0x9  }
0xb4: {  	_ =	task.clear_ibuf [dreg:s8], $0x7FFFF;
	_ =	strace $0x90000046  }
0xb5: {  	s29 =	simm.s32 $0x9;
	_ =	strace $0x80000048  }
0xb6: {  	_ =	swait.ge [sflag:s29], $0x1  }
0xb7: {  	[sflag:s29] =	ssyncadd.s32 $0xFFFFFFFF  }
0xb8: {  	_ =	strace $0x90000048  }
0xb9: {  	_ =	sfence  }
0xba: {  	s30 =	sld [smem:$0x0];
	_ =	sdelay $0x2  }
0xbb: {  	s31 =	sshll.u32 s1, $0xD;
	s1 =	sshrl.u32 s1, $0x2  }
0xbc: {  	s3 =	sand.u32 $0x4000, s31;
	s1 =	sadd.s32 s1, s30  }
0xbd: {  	s0 =	sor.u32 s3, s0;
	s1 =	sshll.u32 s1, $0x11  }
0xbe: {  	s0 =	sor.u32 s1, s0  }
0xbf: {  	s0 =	sadd.s32 $0x8F2B, s0  }
0xc0: {  	[sflag:s0] =	ssyncadd.remote.s32 $0x1  }
0xc1: {  	_ =	sfence.sel $0xFFFF  }
0xc2: {  	[dreg:$0x0] =	wrdreg $0xFFFFFFFF;
	(pc) =	sbr.abs _section_cstart, $3  }
0xc3: {  	[dreg:$0x1] =	wrdreg $0xFFFFFFFF  }
0xc4: {  	_ =	task.clear_ibuf [dreg:s8], $0x2FFFF;
	_ =	strace $0x9FFFFFFF  }
0xc5: {  	(tm) =	ssettm $0x7FFFFFFF  }
tec
execute0_lowered:
.L_overlay_start_1:
0x0: {  	(tag) =	ssettag $0x1  }
0x1: {  	s4 =	rddreg [dreg:$0x0]  }
0x2: {  	s1 =	srdreg.scid;
	s9 =	rddreg [dreg:$0x2]  }
0x3: {  	s10 =	stileid.u32;
	s2 =	rddreg [dreg:$0x3]  }
0x4: {  	s3 =	simm.s32 $0x0;
	s14 =	simm.s32 $0xC828;
	s16 =	simm.s32 $0x10828  }
0x5: {  	s17 =	simm.s32 $0x14828;
	s18 =	simm.s32 $0x1;
	s19 =	simm.s32 $0x18828  }
0x6: {  	s20 =	simm.s32 $0x2;
	s21 =	simm.s32 $0x0;
	s5 =	sand.u32 $0x1, s1  }
0x7: {  	s22 =	sshll.u32 s10, $0x1;
	[smem:$0x7FF] =	sst s3;
	s7 =	smul.u32 $0x190000, s10  }
0x8: {  	s11 =	smul.u32 $0xC80000, s10;
	p0 =	sne.s32 s10, $0x0;
	s6 =	sor.u32 s5, s22  }
0x9: {  	_ =	strace $0x80000047;
	s8 =	smul.u32 $0xC8000, s5;
	s23 =	ssub.s32 $0x2, s5  }
0xa: {  	s13 =	smul.u32 $0x640000, s5;
	s10 =	sshrl.u32 @!p0 s2, $0x3;
	s12 =	sshrl.u32 s23, $0x1  }
0xb: {  	s6 =	smul.u32 $0x1900, s6;
	s7 =	sadd.s32 s7, s9;
	s24 =	ssub.s32 s23, s12  }
0xc: {  	s25 =	sadd.s32 s8, s7;
	s26 =	sadd.s32 s13, s11;
	s12 =	simm.s32 $0x3  }
0xd: {  	s13 =	simm.s32 $0x80;
	s4 =	sadd.s32 s6, s4;
	s5 =	smax.u32 s24, $0x1  }
0xe: {  	s6 =	sadd.s32 $0x800, s25;
	s28 =	sshrl.u32 s26, $0x3;
	s11 =	sor.u32 $0xC000, s26  }
0xf: {  	s29 =	sor.u32 $0x8000, s26;
	s0 =	sadd.s32 $0x800, s4;
	s7 =	sadd.s32 s28, s9  }
0x10: {  	s30 =	sshrl.u32 s11, $0x3;
	s31 =	sshrl.u32 s29, $0x3;
	s11 =	simm.s32 $0x28  }
0x11: {  	[dreg:$0x5] =	wrdreg s0;
	s8 =	sadd.s32 s30, s9;
	s9 =	sadd.s32 s31, s9  }
.LBB2_1:
0x12: {  	s22 =	simm.s32 @!p0 $0x1C03;
	s0 =	rddreg [dreg:$0x1]  }
0x13: {  	[spmem:s10], [sflag:s22] =	dma.local @!p0 [hbm:s0], $0x50  }
0x14: {  	s22 =	simm.s32 @!p0 $0x3  }
0x15: {  	_ =	swait.ge @!p0 [sflag:s22], $0x50  }
0x16: {  	[sflag:s22] =	ssyncset.done @!p0 $0x0  }
0x17: {  	[sflag:s22] =	ssyncadd.s32 @!p0 $0xFFFFFFB0  }
0x18: {  	[bflag:$0x0] =	sbarrier.arrive $0xFFFF  }
0x19: {  	s26 =	rddreg [dreg:$0x5]  }
0x1a: {  	[tilespmem:s11], [sflag:$0x3] =	stream.linear.gather [hbm4b:s26+s3], $0xC800, $0x38;
	[tilespmem:$0x1C828] =	vst v63  }
0x1b: {  	_ =	swait.ge [sflag:s12], $0xC800  }
0x1c: {  	[sflag:s12] =	ssyncset.done $0x0  }
0x1d: {  	p1 =	por $0x1, $0x1;
	[sflag:s12] =	ssyncadd.s32 $0xFFFF3800  }
0x1e: {  	[tilespmem:s14], [sflag:$0x1] =	stream.indirect.gather [spmem:s2], $0x80, s11, s13, $0xb8;
	[tilespmem:$0x1C828] =	vst v63  }
0x1f: {  	s30 =	simm.s32 $0xA8;
	s22 =	simm.s32 @!p1 $0x2  }
0x20: {  	[tilespmem:s16], [sflag:$0x1] =	stream.indirect.gather [spmem:s2], $0x80, s30, s13, $0xb8;
	[tilespmem:$0x1C828] =	vst v63  }
0x21: {  	_ =	swait.ge @!p1 [sflag:s22], $0x4000  }
0x22: {  	[sflag:s22] =	ssyncset.done @!p1 $0x0  }
0x23: {  	s23 =	simm.s32 $0x128;
	[sflag:s22] =	ssyncadd.s32 @!p1 $0xFFFFC000  }
0x24: {  	[tilespmem:s17], [sflag:$0x1] =	stream.indirect.gather [spmem:s2], $0x80, s23, s13, $0xb8;
	[tilespmem:$0x1C828] =	vst v63  }
0x25: {  	_ =	swait.ge [sflag:s18], $0x4000  }
0x26: {  	[sflag:s18] =	ssyncset.done $0x0  }
0x27: {  	[sflag:s18] =	ssyncadd.s32 $0xFFFFC000  }
0x28: {  	[hbm4b:s7+s3] =	stream.linear.scatter [tilespmem:s14], [sflag:$0x2], $0x4000, $0x38;
	[tilespmem:$0x1C828] =	vst v63  }
0x29: {  	_ =	swait.ge @!p1 [sflag:s22], $0x4000  }
0x2a: {  	[sflag:s22] =	ssyncset.done @!p1 $0x0  }
0x2b: {  	s31 =	simm.s32 $0x1A8;
	[sflag:s22] =	ssyncadd.s32 @!p1 $0xFFFFC000  }
0x2c: {  	[tilespmem:s19], [sflag:$0x1] =	stream.indirect.gather [spmem:s2], $0x80, s31, s13, $0xb8;
	[tilespmem:$0x1C828] =	vst v63  }
0x2d: {  	_ =	swait.ge [sflag:s18], $0x4000  }
0x2e: {  	p1 =	por $0x0, $0x0;
	[sflag:s18] =	ssyncset.done $0x0  }
0x2f: {  	s22 =	simm.s32 @!p1 $0x2;
	[sflag:s18] =	ssyncadd.s32 $0xFFFFC000  }
0x30: {  	[hbm4b:s6+s3] =	stream.linear.scatter [tilespmem:s16], [sflag:$0x2], $0x4000, $0x38;
	[tilespmem:$0x1C828] =	vst v63  }
0x31: {  	_ =	swait.ge @!p1 [sflag:s22], $0x4000  }
0x32: {  	s23 =	simm.s32 @!p1 $0x228;
	[sflag:s22] =	ssyncset.done @!p1 $0x0  }
0x33: {  	s25 =	simm.s32 @!p1 $0x80;
	s24 =	simm.s32 @!p1 $0xC828;
	[sflag:s22] =	ssyncadd.s32 @!p1 $0xFFFFC000  }
0x34: {  	[tilespmem:s24], [sflag:$0x1] =	stream.indirect.gather @!p1 [spmem:s2], $0x80, s23, s25, $0xb8;
	[tilespmem:$0x1C828] =	vst v63  }
0x35: {  	_ =	swait.ge [sflag:s18], $0x4000  }
0x36: {  	[sflag:s18] =	ssyncset.done $0x0  }
0x37: {  	[sflag:s18] =	ssyncadd.s32 $0xFFFFC000  }
0x38: {  	[hbm4b:s9+s3] =	stream.linear.scatter [tilespmem:s17], [sflag:$0x2], $0x4000, $0x38;
	[tilespmem:$0x1C828] =	vst v63  }
0x39: {  	s28 =	simm.s32 $0x1000;
	_ =	swait.ge @!p1 [sflag:s22], $0x4000  }
0x3a: {  	p2 =	por $0x0, $0x0;
	s29 =	smov.u32 s8;
	[sflag:s22] =	ssyncset.done @!p1 $0x0  }
0x3b: {  	s26 =	simm.s32 @!p1 $0x10828;
	s23 =	simm.s32 @!p1 $0x2A8;
	[sflag:s22] =	ssyncadd.s32 @!p1 $0xFFFFC000  }
0x3c: {  	[tilespmem:s26], [sflag:$0x1] =	stream.indirect.gather @!p1 [spmem:s2], $0x80, s23, s25, $0xb8;
	[tilespmem:$0x1C828] =	vst v63  }
0x3d: {  	s24 =	simm.s32 $0x800;
	s22 =	sadd.s32 $0x2000, s8;
	s23 =	sadd.s32 $0x2000, s9  }
0x3e: {  	s26 =	sadd.s32 $0x2000, s7;
	s25 =	sadd.s32 $0x2000, s6;
	_ =	swait.ge [sflag:s18], $0x4000  }
.LBB2_2:
0x3f: {  	s30 =	simm.s32 @!p2 $0x2  }
0x40: {  	[sflag:s18] =	ssyncset.done $0x0;
	s31 =	smov.u32 s28;
	s28 =	sadd.s32 $0x800, s28  }
0x41: {  	p1 =	sne.s32 s28, $0x32000;
	[sflag:s18] =	ssyncadd.s32 $0xFFFFC000  }
0x42: {  	[hbm4b:s29+s3] =	stream.linear.scatter [tilespmem:s19], [sflag:$0x2], $0x4000, $0x38;
	[tilespmem:$0x1C828] =	vst v63  }
0x43: {  	s1 =	sshra.s32 s24, $0x2;
	s29 =	smov.u32 s22;
	_ =	swait.ge @!p2 [sflag:s30], $0x4000  }
0x44: {  	s0 =	sadd.s32 $0x128, s1;
	[sflag:s30] =	ssyncset.done @!p2 $0x0  }
0x45: {  	[sflag:s30] =	ssyncadd.s32 @!p2 $0xFFFFC000  }
0x46: {  	[tilespmem:s17], [sflag:$0x1] =	stream.indirect.gather [spmem:s2], $0x80, s0, s13, $0xb8;
	[tilespmem:$0x1C828] =	vst v63  }
0x47: {  	_ =	swait.ge [sflag:s18], $0x4000  }
0x48: {  	[sflag:s18] =	ssyncset.done $0x0  }
0x49: {  	[sflag:s18] =	ssyncadd.s32 $0xFFFFC000  }
0x4a: {  	[hbm4b:s26+s3] =	stream.linear.scatter [tilespmem:s14], [sflag:$0x2], $0x4000, $0x38;
	[tilespmem:$0x1C828] =	vst v63  }
0x4b: {  	_ =	swait.ge @!p2 [sflag:s30], $0x4000  }
0x4c: {  	s0 =	sadd.s32 $0x1A8, s1;
	[sflag:s30] =	ssyncset.done @!p2 $0x0  }
0x4d: {  	[sflag:s30] =	ssyncadd.s32 @!p2 $0xFFFFC000  }
0x4e: {  	[tilespmem:s19], [sflag:$0x1] =	stream.indirect.gather [spmem:s2], $0x80, s0, s13, $0xb8;
	[tilespmem:$0x1C828] =	vst v63  }
0x4f: {  	_ =	swait.ge [sflag:s18], $0x4000  }
0x50: {  	p2 =	seq.s32 s24, $0x31800;
	[sflag:s18] =	ssyncset.done $0x0  }
0x51: {  	s0 =	simm.s32 @!p2 $0x2;
	s1 =	sshra.s32 @!p2 s24, $0x2;
	[sflag:s18] =	ssyncadd.s32 $0xFFFFC000  }
0x52: {  	[hbm4b:s25+s3] =	stream.linear.scatter [tilespmem:s16], [sflag:$0x2], $0x4000, $0x38;
	[tilespmem:$0x1C828] =	vst v63  }
0x53: {  	s30 =	sadd.s32 @!p2 $0x228, s1;
	s1 =	sadd.s32 @!p2 $0x2A8, s1;
	_ =	swait.ge @!p2 [sflag:s0], $0x4000  }
0x54: {  	s15 =	simm.s32 @!p2 $0x80;
	s4 =	simm.s32 @!p2 $0xC828;
	[sflag:s0] =	ssyncset.done @!p2 $0x0  }
0x55: {  	s24 =	smov.u32 s31;
	[sflag:s0] =	ssyncadd.s32 @!p2 $0xFFFFC000  }
0x56: {  	[tilespmem:s4], [sflag:$0x1] =	stream.indirect.gather @!p2 [spmem:s2], $0x80, s30, s15, $0xb8;
	[tilespmem:$0x1C828] =	vst v63  }
0x57: {  	_ =	swait.ge [sflag:s18], $0x4000  }
0x58: {  	[sflag:s18] =	ssyncset.done $0x0  }
0x59: {  	[sflag:s18] =	ssyncadd.s32 $0xFFFFC000  }
0x5a: {  	[hbm4b:s23+s3] =	stream.linear.scatter [tilespmem:s17], [sflag:$0x2], $0x4000, $0x38;
	[tilespmem:$0x1C828] =	vst v63  }
.Ltmp0:
0x5b: {  	_ =	swait.ge @!p2 [sflag:s0], $0x4000;
	(pc) =	sbr.rel @p1 .LBB2_2-.Ltmp0, $4  }
0x5c: {  	s4 =	simm.s32 @!p2 $0x10828;
	s23 =	sadd.s32 $0x2000, s23;
	[sflag:s0] =	ssyncset.done @!p2 $0x0  }
0x5d: {  	s22 =	sadd.s32 $0x2000, s22;
	s26 =	sadd.s32 $0x2000, s26;
	[sflag:s0] =	ssyncadd.s32 @!p2 $0xFFFFC000  }
0x5e: {  	[tilespmem:s4], [sflag:$0x1] =	stream.indirect.gather @!p2 [spmem:s2], $0x80, s1, s15, $0xb8;
	[tilespmem:$0x1C828] =	vst v63  }
0x5f: {  	s25 =	sadd.s32 $0x2000, s25;
	p2 =	seq.s32 s24, $0x0;
	_ =	swait.ge [sflag:s18], $0x4000  }
0x60: {  	[sflag:s18] =	ssyncset.done $0x0  }
0x61: {  	s0 =	simm.s32 @!p2 $0x2;
	[sflag:s18] =	ssyncadd.s32 $0xFFFFC000  }
0x62: {  	[hbm4b:s29+s3] =	stream.linear.scatter [tilespmem:s19], [sflag:$0x2], $0x4000, $0x38;
	[tilespmem:$0x1C828] =	vst v63  }
0x63: {  	_ =	swait.ge @!p2 [sflag:s0], $0x4000  }
0x64: {  	s1 =	sshra.s32 s24, $0x2;
	[sflag:s0] =	ssyncset.done @!p2 $0x0  }
0x65: {  	s4 =	sadd.s32 $0x128, s1;
	[sflag:s0] =	ssyncadd.s32 @!p2 $0xFFFFC000  }
0x66: {  	[tilespmem:s17], [sflag:$0x1] =	stream.indirect.gather [spmem:s2], $0x80, s4, s13, $0xb8;
	[tilespmem:$0x1C828] =	vst v63  }
0x67: {  	_ =	swait.ge [sflag:s18], $0x4000  }
0x68: {  	[sflag:s18] =	ssyncset.done $0x0  }
0x69: {  	[sflag:s18] =	ssyncadd.s32 $0xFFFFC000  }
0x6a: {  	[hbm4b:s26+s3] =	stream.linear.scatter [tilespmem:s14], [sflag:$0x2], $0x4000, $0x38;
	[tilespmem:$0x1C828] =	vst v63  }
0x6b: {  	_ =	swait.ge @!p2 [sflag:s0], $0x4000  }
0x6c: {  	[sflag:s0] =	ssyncset.done @!p2 $0x0  }
0x6d: {  	s1 =	sadd.s32 $0x1A8, s1;
	[sflag:s0] =	ssyncadd.s32 @!p2 $0xFFFFC000  }
0x6e: {  	[tilespmem:s19], [sflag:$0x1] =	stream.indirect.gather [spmem:s2], $0x80, s1, s13, $0xb8;
	[tilespmem:$0x1C828] =	vst v63  }
0x6f: {  	_ =	swait.ge [sflag:s18], $0x4000  }
0x70: {  	p1 =	seq.s32 s24, $0x31800;
	[sflag:s18] =	ssyncset.done $0x0  }
0x71: {  	s0 =	simm.s32 @!p1 $0x2;
	[sflag:s18] =	ssyncadd.s32 $0xFFFFC000  }
0x72: {  	[hbm4b:s25+s3] =	stream.linear.scatter [tilespmem:s16], [sflag:$0x2], $0x4000, $0x38;
	[tilespmem:$0x1C828] =	vst v63  }
0x73: {  	_ =	swait.ge @!p1 [sflag:s0], $0x4000  }
0x74: {  	s15 =	simm.s32 @!p1 $0x80;
	s1 =	sshra.s32 @!p1 s24, $0x2;
	[sflag:s0] =	ssyncset.done @!p1 $0x0  }
0x75: {  	s24 =	simm.s32 @!p1 $0xC828;
	s4 =	sadd.s32 @!p1 $0x228, s1;
	[sflag:s0] =	ssyncadd.s32 @!p1 $0xFFFFC000  }
0x76: {  	[tilespmem:s24], [sflag:$0x1] =	stream.indirect.gather @!p1 [spmem:s2], $0x80, s4, s15, $0xb8;
	[tilespmem:$0x1C828] =	vst v63  }
0x77: {  	_ =	swait.ge [sflag:s18], $0x4000  }
0x78: {  	[sflag:s18] =	ssyncset.done $0x0  }
0x79: {  	[sflag:s18] =	ssyncadd.s32 $0xFFFFC000  }
0x7a: {  	[hbm4b:s23+s3] =	stream.linear.scatter [tilespmem:s17], [sflag:$0x2], $0x4000, $0x38;
	[tilespmem:$0x1C828] =	vst v63  }
0x7b: {  	_ =	swait.ge @!p1 [sflag:s0], $0x4000  }
0x7c: {  	[sflag:s0] =	ssyncset.done @!p1 $0x0  }
0x7d: {  	s1 =	sadd.s32 @!p1 $0x2A8, s1;
	s4 =	simm.s32 @!p1 $0x10828;
	[sflag:s0] =	ssyncadd.s32 @!p1 $0xFFFFC000  }
0x7e: {  	[tilespmem:s4], [sflag:$0x1] =	stream.indirect.gather @!p1 [spmem:s2], $0x80, s1, s15, $0xb8;
	[tilespmem:$0x1C828] =	vst v63  }
0x7f: {  	_ =	swait.ge [sflag:s18], $0x4000  }
0x80: {  	[sflag:s18] =	ssyncset.done $0x0  }
0x81: {  	[sflag:s18] =	ssyncadd.s32 $0xFFFFC000  }
0x82: {  	[hbm4b:s22+s3] =	stream.linear.scatter [tilespmem:s19], [sflag:$0x2], $0x4000, $0x38;
	[tilespmem:$0x1C828] =	vst v63  }
0x83: {  	_ =	swait.ge [sflag:s20], $0x4000  }
0x84: {  	[sflag:s20] =	ssyncset.done $0x0  }
0x85: {  	[sflag:s20] =	ssyncadd.s32 $0xFFFFC000  }
0x86: {  	_ =	swait.ge [sflag:s20], $0x4000  }
0x87: {  	[sflag:s20] =	ssyncset.done $0x0  }
0x88: {  	s21 =	sadd.s32 $0x1, s21;
	[sflag:s20] =	ssyncadd.s32 $0xFFFFC000  }
0x89: {  	p1 =	sne.s32 s21, s5;
	_ =	swait.ge [sflag:s20], $0x4000  }
.Ltmp1:
0x8a: {  	[sflag:s20] =	ssyncset.done $0x0;
	(pc) =	sbr.rel @p1 .LBB2_1-.Ltmp1, $4  }
0x8b: {  	[sflag:s20] =	ssyncadd.s32 $0xFFFFC000  }
0x8c: {  	_ =	swait.ge [sflag:s20], $0x4000  }
0x8d: {  	[sflag:s20] =	ssyncset.done $0x0  }
0x8e: {  	[sflag:s20] =	ssyncadd.s32 $0xFFFFC000  }
0x8f: {  	_ =	sfence.sel $0x180000  }
0x90: {  	[bflag:$0x0] =	sbarrier.arrive $0xFFFF  }
0x91: {  	_ =	strace $0x90000047  }
0x92: {  	[bflag:$0x2] =	sbarrier.arrive $0xFFFF  }
0x93: {  	s0 =	rddreg [dreg:$0x4]  }
0x94: {  	s0 =	sadd.s32 @!p0 $0x100000, s0  }
0x95: {  	[sflag:s0] =	ssyncadd.tile.s32 @!p0 $0x1;
	_ =	shalt  }
.Lfunc_end2:
_tile_overlayer_lowered:
.L_overlay_start_2:
0x96: {  	(tag) =	ssettag $0x2  }
0x97: {  	s0 =	rddreg [dreg:$0x0];
	s2 =	stileid.u32  }
0x98: {  	s1 =	rddreg [dreg:$0x1];
	p0 =	sne.s32 s2, $0x0  }
0x99: {  	s3 =	rddreg [dreg:$0x2];
	[bflag:$0x3] =	sbarrier.arrive $0xFFFF;
	s2 =	simm.s32 @!p0 $0x1C03  }
0x9a: {  	[timem:s3], [sflag:s2] =	dma.local @!p0 [hbm:s0], s1  }
0x9b: {  	s0 =	simm.s32 @!p0 $0x3  }
0x9c: {  	_ =	swait.ge @!p0 [sflag:s0], s1  }
0x9d: {  	s1 =	ssub.s32 @!p0 $0x0, s1;
	[sflag:s0] =	ssyncset.done @!p0 $0x0  }
0x9e: {  	[sflag:s0] =	ssyncadd.s32 @!p0 s1  }
0x9f: {  	[bflag:$0x3] =	sbarrier.arrive $0xFFFF  }
0xa0: {  	_ =	shalt  }

// kernel: sparse-core-data-format-call.cloned.1.call-start
scs
called_computation_lowered:
.L_overlay_start_0:
0x0: {  	s2 =	sld [smem:$0x3FD9]  }
0x1: {  	s3 =	sld [smem:$0x3FFE];
	_ =	sdelay $0x1  }
0x2: {  	s1 =	srdreg.scid  }
0x3: {  	s0 =	sand.u32 $0x1, s1  }
0x4: {  	s18 =	sshll.u32 s0, $0xA;
	s2 =	sadd.s32 s3, s2  }
0x5: {  	s2 =	sadd.s32 s2, s18  }
0x6: {  	[smem:$0x3FC6] =	sst s2  }
0x7: {  	_ = 	snop  }
0x8: {  	s2 =	sld [smem:$0x3FD0];
	(tm) =	ssettm $0x1  }
0x9: {  	s19 =	sld [smem:$0x3FFB];
	_ =	sdelay $0x3  }
0xa: {  	_ =	strace s19  }
0xb: {  	s3 =	sld [smem:$0x3FFC];
	_ =	sdelay $0x3  }
0xc: {  	_ =	strace s3  }
0xd: {  	s3 =	sld [smem:$0x3FFD];
	_ =	sdelay $0x3  }
0xe: {  	_ =	strace s3  }
0xf: {  	_ =	strace $0x8FFFFFFF  }
0x10: {  	s20 =	sld [smem:$0x3FDB];
	_ =	sdelay $0x1  }
0x11: {  	s4 =	simm.s32 $_scs_section_size  }
0x12: {  	s5 =	simm.s32 $_size__tile_overlayer_lowered;
	s6 =	simm.s32 $_tile_overlayer_lowered  }
0x13: {  	s23 =	simm.s32 $0x1BFF;
	s22 =	sshll.u32 s6, $0x1;
	s3 =	sadd.s32 s4, s20  }
0x14: {  	s7 =	simm.s32 $0x0;
	s21 =	sshll.u32 s5, $0x1;
	s5 =	sadd.s32 s22, s3  }
0x15: {  	[timem:s7], [sflag:s23] =	dma.local [hbm:s5], s21  }
0x16: {  	_ =	swait.ge [sflag:s23], s21  }
0x17: {  	s4 =	ssub.s32 $0x0, s21;
	[sflag:s23] =	ssyncset.done $0x0  }
0x18: {  	[sflag:s23] =	ssyncadd.s32 s4;
	_ =	sdelay $0x1  }
0x19: {  	s24 =	simm.s32 $0x1B8B  }
0x1a: {  	_ =	swait.ge [sflag:s24], $0x1  }
0x1b: {  	[sflag:s24] =	ssyncset.done $0x0  }
0x1c: {  	s26 =	simm.s32 $0x1B8E;
	s25 =	sld [smem:$0x3FFE];
	[sflag:s24] =	ssyncadd.s32 $0xFFFFFFFF  }
0x1d: {  	s27 =	simm.s32 $execute0_lowered;
	[smem:$0x3FD2] =	sst s26  }
0x1e: {  	s5 =	sshll.u32 s27, $0x1;
	_ =	strace $0x80000049;
	[dreg:$0x1] =	wrdreg $0xFFFFFFFF  }
0x1f: {  	s28 =	simm.s32 $_size_execute0_lowered;
	s3 =	sadd.s32 s3, s5;
	[dreg:$0x0] =	wrdreg $0x0  }
0x20: {  	s5 =	sshll.u32 s28, $0x1;
	[dreg:$0x2] =	wrdreg s3  }
0x21: {  	[dreg:$0x3] =	wrdreg s5  }
0x22: {  	[dreg:$0x4] =	wrdreg $0xC0  }
0x23: {  	_ =	task [dreg:s7], $0x5FFFF  }
0x24: {  	[dreg:$0x1] =	wrdreg $0xFFFFFFFF  }
0x25: {  	[dreg:$0x0] =	wrdreg $0x60  }
0x26: {  	[dreg:$0x2] =	wrdreg s25  }
0x27: {  	[dreg:$0x3] =	wrdreg s2  }
0x28: {  	[dreg:$0x4] =	wrdreg $0x9  }
0x29: {  	_ =	task.clear_ibuf [dreg:s7], $0x5FFFF;
	_ =	strace $0x90000049  }
0x2a: {  	s29 =	simm.s32 $0x9;
	_ =	strace $0x8000004B  }
0x2b: {  	_ =	swait.ge [sflag:s29], $0x1  }
0x2c: {  	[sflag:s29] =	ssyncadd.s32 $0xFFFFFFFF  }
0x2d: {  	_ =	strace $0x9000004B  }
0x2e: {  	_ =	sfence  }
0x2f: {  	s30 =	sld [smem:$0x0];
	_ =	sdelay $0x2  }
0x30: {  	s31 =	sshll.u32 s1, $0xD;
	s1 =	sshrl.u32 s1, $0x2  }
0x31: {  	s3 =	sand.u32 $0x4000, s31;
	s1 =	sadd.s32 s1, s30  }
0x32: {  	s0 =	sor.u32 s3, s0;
	s1 =	sshll.u32 s1, $0x11  }
0x33: {  	s0 =	sor.u32 s1, s0  }
0x34: {  	s0 =	sadd.s32 $0x8F2B, s0  }
0x35: {  	[sflag:s0] =	ssyncadd.remote.s32 $0x1  }
0x36: {  	_ =	sfence.sel $0xFFFF  }
0x37: {  	[dreg:$0x0] =	wrdreg $0xFFFFFFFF;
	(pc) =	sbr.abs _section_cstart, $3  }
0x38: {  	[dreg:$0x1] =	wrdreg $0xFFFFFFFF  }
0x39: {  	_ =	task.clear_ibuf [dreg:s7], $0x2FFFF;
	_ =	strace $0x9FFFFFFF  }
0x3a: {  	(tm) =	ssettm $0x7FFFFFFF  }
0x3b: {  	_ =	shalt  }
tec
execute0_lowered:
.L_overlay_start_1:
0x0: {  	(tag) =	ssettag $0x1  }
0x1: {  	s0 =	srdreg.scid  }
0x2: {  	s1 =	sshll.u32 s0, $0x4  }
0x3: {  	s0 =	stileid.u32;
	s1 =	sand.u32 $0x10, s1  }
0x4: {  	s6 =	rddreg [dreg:$0x0];
	s1 =	sor.u32 s0, s1  }
0x5: {  	s4 =	simm.s32 $0x1;
	s7 =	simm.s32 $0x2;
	s2 =	sshll.u32 s1, $0x5  }
0x6: {  	s14 =	simm.s32 $0x0;
	s8 =	simm.s32 $0x1000;
	s1 =	ssub.s32 $0x4000, s2  }
0x7: {  	s9 =	simm.s32 $0x200000;
	s10 =	simm.s32 $0x0;
	s3 =	sand.u32 $0x3E0, s1  }
0x8: {  	s15 =	simm.s32 $0x0;
	s5 =	sshrl.u32 s1, $0xA;
	p0 =	sne.s32 s3, $0x0  }
.Ltmp0:
0x9: {  	s1 =	rddreg [dreg:$0x2];
	s4 =	simm.s32 @!p0 $0x0;
	(pc) =	sbr.rel .LBB1_1-.Ltmp0, $4  }
0xa: {  	s11 =	simm.s32 $0x0;
	s3 =	rddreg [dreg:$0x1];
	s5 =	sadd.s32 s4, s5  }
0xb: {  	_ =	strace $0x8000004A;
	s4 =	simm.s32 $0x1;
	s5 =	smul.u32 $0x19, s5  }
0xc: {  	s13 =	simm.s32 $0x0;
	s6 =	sadd.s32 $0x800, s6;
	[sflag:s4] =	ssyncpa.u1 $0x0  }
0xd: {  	s12 =	smov.u32 s2;
	[sflag:s7] =	ssyncpa.u1 $0x0;
	s7 =	sadd.s32 $0x1, s5  }
.LBB1_7:
0xe: {  	s16 =	sadd.s32 $0x4, s11  }
0xf: {  	s14 =	sadd.s32 $0x400, s12;
	s18 =	smov.u32 s12;
	p1 =	sgt.s32 s16, $0x63  }
0x10: {  	s18 =	smov.u32 @p1 s14  }
0x11: {  	s16 =	simm.s32 @p1 $0x0;
	p1 =	sgt.s32 s18, $0x3FFF  }
0x12: {  	s18 =	smov.u32 @p1 s2;
	p1 =	sne.s32 s13, s7  }
.Ltmp1:
0x13: {  	p0 =	slt.u32 s13, $0x2;
	(pc) =	sbr.rel @!p1 .LBB1_8-.Ltmp1, $4  }
0x14: {  	s17 =	simm.s32 @!p0 $0x2  }
0x15: {  	s15 =	smov.u32 s12;
	s10 =	sadd.s32 $0x4000, s10;
	_ =	swait.ge @!p0 [sflag:s17], $0x4000  }
0x16: {  	s14 =	smov.u32 s11;
	[sflag:s17] =	ssyncset.done @!p0 $0x0;
	s11 =	smov.u32 s16  }
0x17: {  	s13 =	sadd.s32 $0x1, s13;
	[sflag:s17] =	ssyncadd.s32 @!p0 $0xFFFFC000;
	s12 =	smov.u32 s18  }
.LBB1_1:
0x18: {  	p0 =	sge.u32 s13, s5  }
0x19: {  	s16 =	sand.u32 @!p0 $0x1FFFFFF, s11  }
0x1a: {  	s17 =	smulhi.u32 @!p0 $0x2762763, s16;
	_ =	sdelay $0x1  }
0x1b: {  	s17 =	smul.u32 @!p0 $0x68, s17  }
0x1c: {  	s18 =	sxor.u32 @!p0 $0xFFFFFFFF, s13;
	s19 =	smul.u32 @!p0 $0x680, s12  }
0x1d: {  	s31 =	sadd.s32 $0xFFFFFFFF, s13;
	s18 =	sshll.u32 @!p0 s18, $0xE;
	s16 =	ssub.s32 @!p0 s16, s17  }
0x1e: {  	s17 =	sand.u32 @!p0 $0x4000, s18;
	s18 =	sadd.s32 @!p0 s6, s19;
	s16 =	sshll.u32 @!p0 s16, $0x4  }
0x1f: {  	s19 =	simm.s32 @!p0 $0x3400;
	s16 =	sadd.s32 @!p0 s16, s18;
	s18 =	simm.s32 @!p0 $0x200  }
0x20: {  	[tilespmem:s17], [sflag:$0x1] =	stream.strided.gather @!p0 [hbm4b:s16+s18], $0x4000, s19, s18, $0x38;
	[tilespmem:$0x10000] =	vst v63  }
0x21: {  	p0 =	sge.u32 s31, s5  }
.Ltmp2:
0x22: {  	_ = 	snop;
	(pc) =	sbr.rel @p0 .LBB1_7-.Ltmp2, $1  }
0x23: {  	_ =	sdelay $0x3  }
0x24: {  	s17 =	sand.u32 $0x4000, s10  }
0x25: {  	_ =	swait.ge [sflag:s4], $0x4000;
	s19 =	sshll.u32 s13, $0xE;
	s16 =	sor.u32 $0x8040, s17  }
0x26: {  	s18 =	sor.u32 $0x40, s17;
	[sflag:s4] =	ssyncset.done $0x0;
	s31 =	sand.u32 $0x4000, s19  }
0x27: {  	s19 =	simm.s32 $0x0;
	[sflag:s4] =	ssyncadd.s32 $0xFFFFC000;
	s17 =	sor.u32 $0x8000, s31  }
.LBB1_3:
0x28: {  	v0 =	vmov s18;
	_ =	sdelay $0x3  }
0x29: {  	s21 =	simm.s32 $0x0  }
0x2a: {  	v6 =	vld.idx.msk [tilespmem:v0+s21+$0x30 ss:$0x1], $0xffff  }
0x2b: {  	v7 =	vld.idx.msk [tilespmem:v0+s21+$0xFFFFFFC0 ss:$0x1], $0xffff  }
0x2c: {  	v5 =	vld.idx.msk [tilespmem:v0+s21+$0xFFFFFFD0 ss:$0x1], $0xffff  }
0x2d: {  	v4 =	vld.idx.msk [tilespmem:v0+s21+$0xFFFFFFE0 ss:$0x1], $0xffff  }
0x2e: {  	v3 =	vld.idx.msk [tilespmem:v0+s21+$0xFFFFFFF0 ss:$0x1], $0xffff  }
0x2f: {  	v1 =	vld.idx.msk [tilespmem:v0+s21+$0x0 ss:$0x1], $0xffff  }
0x30: {  	v2 =	vld.idx.msk [tilespmem:v0+s21+$0x10 ss:$0x1], $0xffff;
	[tilespmem:s16+$0x30] =	vst v6  }
0x31: {  	s20 =	simm.s32 $0x80;
	s22 =	simm.s32 $0x400;
	[tilespmem:s16+$0xFFFFFFC0] =	vst v7;
	v6 =	vld.idx.msk [tilespmem:v0+s21+$0x20 ss:$0x1], $0xffff;
	s21 =	smov.u32 s16  }
.LBB1_4:
0x32: {  	p0 =	sne.s32 s22, $0x600;
	v7 =	vld.idx.msk [tilespmem:v0+s20+$0x30 ss:$0x1], $0xffff;
	[tilespmem:s21+$0xFFFFFFD0] =	vst v5  }
0x33: {  	v8 =	vld.idx.msk [tilespmem:v0+s20+$0xFFFFFFC0 ss:$0x1], $0xffff;
	[tilespmem:s21+$0xFFFFFFE0] =	vst v4  }
0x34: {  	v5 =	vld.idx.msk [tilespmem:v0+s20+$0xFFFFFFD0 ss:$0x1], $0xffff;
	[tilespmem:s21+$0xFFFFFFF0] =	vst v3  }
.Ltmp3:
0x35: {  	v4 =	vld.idx.msk [tilespmem:v0+s20+$0xFFFFFFE0 ss:$0x1], $0xffff;
	[tilespmem:s21+$0x0] =	vst v1;
	(pc) =	sbr.rel @p0 .LBB1_4-.Ltmp3, $4  }
0x36: {  	v3 =	vld.idx.msk [tilespmem:v0+s20+$0xFFFFFFF0 ss:$0x1], $0xffff;
	[tilespmem:s21+$0x10] =	vst v2  }
0x37: {  	v1 =	vld.idx.msk [tilespmem:v0+s20+$0x0 ss:$0x1], $0xffff;
	[tilespmem:s21+$0x20] =	vst v6;
	s21 =	sadd.s32 $0x1000, s21  }
0x38: {  	v2 =	vld.idx.msk [tilespmem:v0+s20+$0x10 ss:$0x1], $0xffff;
	[tilespmem:s21+$0x30] =	vst v7  }
0x39: {  	[tilespmem:s21+$0xFFFFFFC0] =	vst v8;
	v6 =	vld.idx.msk [tilespmem:v0+s20+$0x20 ss:$0x1], $0xffff;
	s20 =	sshra.s32 s22, $0x2;
	s22 =	sadd.s32 $0x200, s22  }
0x3a: {  	_ =	sdelay $0x2  }
0x3b: {  	[tilespmem:s21+$0xFFFFFFD0] =	vst v5  }
0x3c: {  	v56 =	vld.idx.msk [tilespmem:v0+s20+$0x30 ss:$0x1], $0xffff;
	[tilespmem:s21+$0xFFFFFFE0] =	vst v4  }
0x3d: {  	v57 =	vld.idx.msk [tilespmem:v0+s20+$0xFFFFFFC0 ss:$0x1], $0xffff;
	[tilespmem:s21+$0xFFFFFFF0] =	vst v3  }
0x3e: {  	v58 =	vld.idx.msk [tilespmem:v0+s20+$0xFFFFFFD0 ss:$0x1], $0xffff;
	[tilespmem:s21+$0x0] =	vst v1  }
0x3f: {  	v59 =	vld.idx.msk [tilespmem:v0+s20+$0xFFFFFFE0 ss:$0x1], $0xffff;
	[tilespmem:s21+$0x10] =	vst v2  }
0x40: {  	v60 =	vld.idx.msk [tilespmem:v0+s20+$0xFFFFFFF0 ss:$0x1], $0xffff;
	s31 =	sadd.s32 $0x1000, s21;
	[tilespmem:s21+$0x20] =	vst v6  }
0x41: {  	v61 =	vld.idx.msk [tilespmem:v0+s20+$0x0 ss:$0x1], $0xffff;
	[tilespmem:s31+$0x30] =	vst v56  }
0x42: {  	v62 =	vld.idx.msk [tilespmem:v0+s20+$0x10 ss:$0x1], $0xffff;
	s19 =	sadd.s32 $0x1, s19;
	[tilespmem:s31+$0xFFFFFFC0] =	vst v57  }
0x43: {  	v63 =	vld.idx.msk [tilespmem:v0+s20+$0x20 ss:$0x1], $0xffff;
	p0 =	sne.s32 s19, $0x20;
	[tilespmem:s31+$0xFFFFFFD0] =	vst v58  }
.Ltmp4:
0x44: {  	[tilespmem:s31+$0xFFFFFFE0] =	vst v59;
	(pc) =	sbr.rel @p0 .LBB1_3-.Ltmp4, $4  }
0x45: {  	[tilespmem:s31+$0xFFFFFFF0] =	vst v60  }
0x46: {  	[tilespmem:s31+$0x0] =	vst v61  }
0x47: {  	[tilespmem:s31+$0x10] =	vst v62  }
0x48: {  	s16 =	sadd.s32 $0x80, s16;
	s18 =	sadd.s32 $0x200, s18;
	[tilespmem:s31+$0x20] =	vst v63  }
.Ltmp5:
0x49: {  	s15 =	sshll.u32 s15, $0x4;
	(pc) =	sbr.rel .LBB1_7-.Ltmp5, $4  }
0x4a: {  	s15 =	sand.u32 $0x3FFF0, s15  }
0x4b: {  	s14 =	sshll.u32 s14, $0x12;
	s15 =	sadd.s32 s3, s15  }
0x4c: {  	s14 =	sadd.s32 s14, s15  }
0x4d: {  	[hbm4b:s14+s8] =	stream.strided.scatter [tilespmem:s17], [sflag:$0x2], $0x4000, s9, s8, $0x38;
	[tilespmem:$0x10000] =	vst v63  }
.LBB1_8:
0x4e: {  	_ =	sfence.sel $0x180000  }
0x4f: {  	s2 =	simm.s32 $0x1;
	[bflag:$0x0] =	sbarrier.arrive $0xFFFF  }
0x50: {  	s31 =	simm.s32 $0x2;
	[sflag:s2] =	ssyncpa.u1 $0x1  }
0x51: {  	[sflag:s31] =	ssyncpa.u1 $0x1  }
0x52: {  	p0 =	sne.s32 s0, $0x0;
	_ =	strace $0x9000004A  }
0x53: {  	s0 =	sadd.s32 @!p0 $0x100000, s1;
	[bflag:$0x2] =	sbarrier.arrive $0xFFFF  }
0x54: {  	[sflag:s0] =	ssyncadd.tile.s32 @!p0 $0x1;
	_ =	shalt  }
.Lfunc_end1:
_tile_overlayer_lowered:
.L_overlay_start_2:
0x55: {  	(tag) =	ssettag $0x2  }
0x56: {  	s0 =	rddreg [dreg:$0x0];
	s2 =	stileid.u32  }
0x57: {  	s1 =	rddreg [dreg:$0x1];
	p0 =	sne.s32 s2, $0x0  }
0x58: {  	s3 =	rddreg [dreg:$0x2];
	[bflag:$0x3] =	sbarrier.arrive $0xFFFF;
	s2 =	simm.s32 @!p0 $0x1C01  }
0x59: {  	[timem:s3], [sflag:s2] =	dma.local @!p0 [hbm:s0], s1  }
0x5a: {  	s0 =	simm.s32 @!p0 $0x1  }
0x5b: {  	_ =	swait.ge @!p0 [sflag:s0], s1  }
0x5c: {  	s1 =	ssub.s32 @!p0 $0x0, s1;
	[sflag:s0] =	ssyncset.done @!p0 $0x0  }
0x5d: {  	[sflag:s0] =	ssyncadd.s32 @!p0 s1  }
0x5e: {  	[bflag:$0x3] =	sbarrier.arrive $0xFFFF  }
0x5f: {  	_ =	shalt  }

</sc_bundles>
